<compile_context>
chip_gen: v7x
topology: tpu7x:2x2x1
jax: 0.10.2.dev20260603
libtpu: 0.0.44.dev20260713+nightly
codegen_flags: <defaults>
</compile_context>

<pallas_src>
import functools

import jax
import jax.numpy as jnp
from jax import lax
from jax.experimental import pallas as pl
from jax.experimental.pallas import tpu as pltpu
from jax.experimental.pallas import tpu_sc as plsc

N = 10000
E = 320000
D = 128

NC = 2
NS = 16
CHUNK = 64
NCHUNK = E // CHUNK
CH_PER_CORE = NCHUNK // NC
TMAX = -(-CH_PER_CORE // NS)
NRING = 3
NSETS = 2
NB = NRING * NSETS
QMAX = -(-TMAX // NRING)
Q2MAX = (QMAX + 2 * NSETS - 1) // NSETS

BBLK = 64
NBLK = N // BBLK
NREM = N - NBLK * BBLK
ZITER = -(-NBLK // NS)


def _sc_agg_body(x_hbm, ei_hbm, agg_out, deg_out, *refs):
    idx_b = refs[0:NB]
    rows_b = refs[NB:2 * NB]
    ones_v = refs[2 * NB]
    zdeg_v = refs[2 * NB + 1]
    acc = refs[2 * NB + 2]
    dacc = refs[2 * NB + 3]
    base = 2 * NB + 4
    i_sem = refs[base: base + NB]
    g_sem = refs[base + NB: base + 2 * NB]
    s_sem = refs[base + 2 * NB: base + 3 * NB]
    d_sem = refs[base + 3 * NB: base + 4 * NB]

    c = lax.axis_index("c")
    s = lax.axis_index("s")
    _VEC0 = jnp.zeros((16,), jnp.float32)
    _VEC1 = jnp.ones((16,), jnp.float32)

    def _fill(i, _):
        for j in range(D // 16):
            rows_b[0][i, pl.ds(j * 16, 16)] = _VEC0
        return 0

    def _fill_small(i, _):
        ones_v[pl.ds(i * 16, 16)] = _VEC1
        zdeg_v[pl.ds(i * 16, 16)] = _VEC0
        return 0

    lax.fori_loop(0, CHUNK, _fill, 0)
    lax.fori_loop(0, CHUNK // 16, _fill_small, 0)

    def _zero_blk(t, _):
        b = s + NS * t

        @pl.when(b < NBLK)
        def _():
            r0 = b * BBLK
            pltpu.sync_copy(rows_b[0], acc.at[pl.ds(r0, BBLK), :])
            pltpu.sync_copy(zdeg_v, dacc.at[pl.ds(r0, BBLK)])

        return 0

    lax.fori_loop(0, ZITER, _zero_blk, 0)

    if NREM:
        @pl.when(s == NBLK % NS)
        def _():
            pltpu.sync_copy(rows_b[0].at[pl.ds(0, NREM), :], acc.at[pl.ds(NBLK * BBLK, NREM), :])
            pltpu.sync_copy(zdeg_v.at[pl.ds(0, NREM)], dacc.at[pl.ds(NBLK * BBLK, NREM)])

    plsc.subcore_barrier()

    def _valid(u):
        return s + NS * u < CH_PER_CORE

    def _e0(u):
        return (c * CH_PER_CORE + s + NS * u) * CHUNK

    def _ring(q2, _):
        for dq in range(NSETS):
            q = NSETS * q2 + dq
            boff = dq * NRING

            for k in range(NRING):
                kb = boff + k

                @pl.when((q >= NSETS) & _valid(NRING * (q - NSETS) + k))
                def _(kb=kb):
                    pltpu.make_async_copy(rows_b[kb], acc.at[idx_b[kb].at[1]], s_sem[kb]).wait()
                    pltpu.make_async_copy(ones_v, dacc.at[idx_b[kb].at[1]], d_sem[kb]).wait()

            for k in range(NRING):
                kb = boff + k
                u = NRING * q + k

                @pl.when((q < QMAX) & _valid(u))
                def _(kb=kb, u=u):
                    pltpu.async_copy(ei_hbm.at[:, pl.ds(_e0(u), CHUNK)], idx_b[kb], i_sem[kb])

            for k in range(NRING):
                kb = boff + k
                u = NRING * q + k

                @pl.when((q < QMAX) & _valid(u))
                def _(kb=kb):
                    pltpu.make_async_copy(ei_hbm.at[:, pl.ds(0, CHUNK)], idx_b[kb], i_sem[kb]).wait()
                    pltpu.async_copy(x_hbm.at[idx_b[kb].at[0]], rows_b[kb], g_sem[kb])

            for k in range(NRING):
                kb = boff + k
                u = NRING * q + k

                @pl.when((q < QMAX) & _valid(u))
                def _(kb=kb):
                    pltpu.make_async_copy(x_hbm.at[idx_b[kb].at[0]], rows_b[kb], g_sem[kb]).wait()
                    pltpu.async_copy(rows_b[kb], acc.at[idx_b[kb].at[1]], s_sem[kb], add=True)
                    pltpu.async_copy(ones_v, dacc.at[idx_b[kb].at[1]], d_sem[kb], add=True)

        return 0

    lax.fori_loop(0, Q2MAX, _ring, 0)
    plsc.subcore_barrier()

    def _out_blk(t, _):
        b = s + NS * t

        @pl.when(b < NBLK)
        def _():
            r0 = b * BBLK
            pltpu.sync_copy(acc.at[pl.ds(r0, BBLK), :], rows_b[0])
            pltpu.sync_copy(rows_b[0], agg_out.at[c, pl.ds(r0, BBLK), :])
            pltpu.sync_copy(dacc.at[pl.ds(r0, BBLK)], zdeg_v)
            pltpu.sync_copy(zdeg_v, deg_out.at[pl.ds(c * N + r0, BBLK)])

        return 0

    lax.fori_loop(0, ZITER, _out_blk, 0)

    if NREM:
        @pl.when(s == NBLK % NS)
        def _():
            r0 = NBLK * BBLK
            pltpu.sync_copy(acc.at[pl.ds(r0, NREM), :], rows_b[0].at[pl.ds(0, NREM), :])
            pltpu.sync_copy(rows_b[0].at[pl.ds(0, NREM), :], agg_out.at[c, pl.ds(r0, NREM), :])
            pltpu.sync_copy(dacc.at[pl.ds(r0, NREM)], zdeg_v.at[pl.ds(0, NREM)])
            pltpu.sync_copy(zdeg_v.at[pl.ds(0, NREM)], deg_out.at[pl.ds(c * N + r0, NREM)])


_sc_agg = functools.partial(
    pl.kernel,
    out_type=[
        jax.ShapeDtypeStruct((NC, N, D), jnp.float32),
        jax.ShapeDtypeStruct((NC * N,), jnp.float32),
    ],
    mesh=plsc.VectorSubcoreMesh(core_axis_name="c", subcore_axis_name="s"),
    compiler_params=pltpu.CompilerParams(use_tc_tiling_on_sc=False),
    scratch_types=(
        [pltpu.VMEM((2, CHUNK), jnp.int32) for _ in range(NB)]
        + [pltpu.VMEM((CHUNK, D), jnp.float32) for _ in range(NB)]
        + [
            pltpu.VMEM((CHUNK,), jnp.float32),
            pltpu.VMEM((CHUNK,), jnp.float32),
            pltpu.VMEM_SHARED((N, D), jnp.float32),
            pltpu.VMEM_SHARED((N,), jnp.float32),
        ]
        + [pltpu.SemaphoreType.DMA for _ in range(4 * NB)]
    ),
)(_sc_agg_body)


RB = 2000


def _combine_body(x_ref, w_ref, a_ref, d_ref, o_ref):
    x = x_ref[...]
    w = w_ref[...]
    a = a_ref[0] + a_ref[1]
    d = d_ref[0] + d_ref[1]
    neigh = a / jnp.maximum(d, 1.0)
    out = jnp.dot(x, w, preferred_element_type=jnp.float32) + neigh
    nrm = jnp.sqrt(jnp.sum(out * out, axis=1, keepdims=True))
    o_ref[...] = out / jnp.maximum(nrm, 1e-12)


def _combine(x, w, agg, deg):
    return pl.pallas_call(
        _combine_body,
        grid=(N // RB,),
        in_specs=[
            pl.BlockSpec((RB, D), lambda i: (i, 0)),
            pl.BlockSpec((D, D), lambda i: (0, 0)),
            pl.BlockSpec((NC, RB, D), lambda i: (0, i, 0)),
            pl.BlockSpec((NC, RB, 1), lambda i: (0, i, 0)),
        ],
        out_specs=pl.BlockSpec((RB, D), lambda i: (i, 0)),
        out_shape=jax.ShapeDtypeStruct((N, D), jnp.float32),
    )(x, w, agg, deg)


@jax.jit
def kernel(x, edge_index, w):
    agg, deg = _sc_agg(x, edge_index)
    return _combine(x, w, agg, deg.reshape(NC, N, 1))

# --- scband reference (transcript-rebuilt; emitter-appended) ---
"""Pipeline reference for scband-rcgncombine-14826227106014 (READ-ONLY COPY).

The authoritative reference and input builder live on the scoring server;
editing this copy changes nothing except your own understanding.
"""

import jax, jax.numpy as jnp
import numpy as np

N_NODES = 10000
N_EDGES = 320000
D_IN = 128
D_OUT = 128


def setup_inputs(seed: int = 0) -> dict:
    key = jax.random.key(seed)
    k1, k2, k3 = jax.random.split(key, 3)
    x = jax.random.normal(k1, (N_NODES, D_IN), dtype=jnp.float32)
    # edge_index[0] = src nodes, edge_index[1] = dst nodes (int32 under default jax x64-disabled config;
    # semantically equivalent to int64 indices in the torch module)
    edge_index = jax.random.randint(k2, (2, N_EDGES), 0, N_NODES, dtype=jnp.int32)
    # xavier_uniform_ init for w, matching torch init.xavier_uniform_
    limit = float(np.sqrt(6.0 / (D_IN + D_OUT)))
    w = jax.random.uniform(k3, (D_IN, D_OUT), dtype=jnp.float32, minval=-limit, maxval=limit)
    return {"x": x, "edge_index": edge_index, "w": w}


def reference(x, edge_index, w):
    # Aggregator: mean of neighbor features per destination node (standard RGCN-style
    # neighborhood aggregation; the torch module delegates this to self.aggregator(nodes, kg)).
    src = edge_index[0]
    dst = edge_index[1]
    msgs = jnp.take(x, src, axis=0)                                   # gather [E, D]
    agg = jax.ops.segment_sum(msgs, dst, num_segments=N_NODES)        # scatter-add [N, D]
    deg = jax.ops.segment_sum(jnp.ones((N_EDGES,), jnp.float32), dst, num_segments=N_NODES)
    neigh_feats = agg / jnp.clip(deg, 1.0)[:, None]
    # add_weight=True branch: self_feats @ w + neigh_feats
    # (note: bias b is registered in the torch module but never used in forward)
    output = jnp.matmul(x, w) + neigh_feats
    # activation is None -> skipped
    # normalize=True -> F.normalize (L2 along dim=1, eps=1e-12)
    norm = jnp.linalg.norm(output, ord=2, axis=1, keepdims=True)
    output = output / jnp.clip(norm, 1e-12)
    return output

if __name__ == "__main__":
    import jax
    _d = setup_inputs()
    print(jax.jit(kernel)(*tuple(_d.values())))

</pallas_src>

<mosaic_0001>
#map = affine_map<(d0, d1) -> (0, 0)>
#map1 = affine_map<(d0, d1) -> (0, 0, 0)>
#map2 = affine_map<(d0, d1) -> (0)>
module attributes {stable_mosaic.version = 14 : i64} {
  func.func @_sc_agg_body(%arg0: i32, %arg1: i32, %arg2: memref<10000x128xf32, #tpu.memory_space<hbm>>, %arg3: memref<2x320000xi32, #tpu.memory_space<hbm>>, %arg4: memref<2x10000x128xf32, #tpu.memory_space<hbm>>, %arg5: memref<20000xf32, #tpu.memory_space<hbm>>, %arg6: memref<2x64xi32, #tpu.memory_space<vmem>>, %arg7: memref<2x64xi32, #tpu.memory_space<vmem>>, %arg8: memref<2x64xi32, #tpu.memory_space<vmem>>, %arg9: memref<2x64xi32, #tpu.memory_space<vmem>>, %arg10: memref<2x64xi32, #tpu.memory_space<vmem>>, %arg11: memref<2x64xi32, #tpu.memory_space<vmem>>, %arg12: memref<64x128xf32, #tpu.memory_space<vmem>>, %arg13: memref<64x128xf32, #tpu.memory_space<vmem>>, %arg14: memref<64x128xf32, #tpu.memory_space<vmem>>, %arg15: memref<64x128xf32, #tpu.memory_space<vmem>>, %arg16: memref<64x128xf32, #tpu.memory_space<vmem>>, %arg17: memref<64x128xf32, #tpu.memory_space<vmem>>, %arg18: memref<64xf32, #tpu.memory_space<vmem>>, %arg19: memref<64xf32, #tpu.memory_space<vmem>>, %arg20: memref<10000x128xf32, #tpu.memory_space<vmem_shared>>, %arg21: memref<10000xf32, #tpu.memory_space<vmem_shared>>, %arg22: memref<!tpu.dma_semaphore, #tpu.memory_space<semaphore_mem>>, %arg23: memref<!tpu.dma_semaphore, #tpu.memory_space<semaphore_mem>>, %arg24: memref<!tpu.dma_semaphore, #tpu.memory_space<semaphore_mem>>, %arg25: memref<!tpu.dma_semaphore, #tpu.memory_space<semaphore_mem>>, %arg26: memref<!tpu.dma_semaphore, #tpu.memory_space<semaphore_mem>>, %arg27: memref<!tpu.dma_semaphore, #tpu.memory_space<semaphore_mem>>, %arg28: memref<!tpu.dma_semaphore, #tpu.memory_space<semaphore_mem>>, %arg29: memref<!tpu.dma_semaphore, #tpu.memory_space<semaphore_mem>>, %arg30: memref<!tpu.dma_semaphore, #tpu.memory_space<semaphore_mem>>, %arg31: memref<!tpu.dma_semaphore, #tpu.memory_space<semaphore_mem>>, %arg32: memref<!tpu.dma_semaphore, #tpu.memory_space<semaphore_mem>>, %arg33: memref<!tpu.dma_semaphore, #tpu.memory_space<semaphore_mem>>, %arg34: memref<!tpu.dma_semaphore, #tpu.memory_space<semaphore_mem>>, %arg35: memref<!tpu.dma_semaphore, #tpu.memory_space<semaphore_mem>>, %arg36: memref<!tpu.dma_semaphore, #tpu.memory_space<semaphore_mem>>, %arg37: memref<!tpu.dma_semaphore, #tpu.memory_space<semaphore_mem>>, %arg38: memref<!tpu.dma_semaphore, #tpu.memory_space<semaphore_mem>>, %arg39: memref<!tpu.dma_semaphore, #tpu.memory_space<semaphore_mem>>, %arg40: memref<!tpu.dma_semaphore, #tpu.memory_space<semaphore_mem>>, %arg41: memref<!tpu.dma_semaphore, #tpu.memory_space<semaphore_mem>>, %arg42: memref<!tpu.dma_semaphore, #tpu.memory_space<semaphore_mem>>, %arg43: memref<!tpu.dma_semaphore, #tpu.memory_space<semaphore_mem>>, %arg44: memref<!tpu.dma_semaphore, #tpu.memory_space<semaphore_mem>>, %arg45: memref<!tpu.dma_semaphore, #tpu.memory_space<semaphore_mem>>) attributes {dimension_semantics = [#tpu.dimension_semantics<core_parallel>, #tpu.dimension_semantics<subcore_parallel>], iteration_bounds = array<i64: 2, 16>, scalar_prefetch = 0 : i64, scratch_operands = 40 : i64, tpu.core_type = #tpu.core_type<sc_vector_subcore>, window_params = [{transform_indices = #map}, {transform_indices = #map}, {transform_indices = #map1}, {transform_indices = #map2}]} {
    %broadcast_in_dim3A = arith.constant 0.000000e+00 : f32
    %broadcast_in_dim3A_0 = vector.broadcast %broadcast_in_dim3A : f32 to vector<16xf32>
    %broadcast_in_dim3A_1 = arith.constant 1.000000e+00 : f32
    %broadcast_in_dim3A_2 = vector.broadcast %broadcast_in_dim3A_1 : f32 to vector<16xf32>
    %scan3A = arith.constant 0 : i32
    %scan3A_3 = arith.constant 0 : i32
    %scan3A_4 = arith.constant 64 : i32
    %scan3A_5 = arith.addi %scan3A_3, %scan3A_4 : i32
    %scan3A_6 = arith.constant 1 : i32
    %scan3A_7 = scf.for %scan3A_45 = %scan3A_3 to %scan3A_5 step %scan3A_6 iter_args(%scan3A_46 = %scan3A) -> (i32)  : i32 {
      %swap3A = arith.index_cast %scan3A_45 : i32 to index
      %swap3A_47 = arith.constant 0 : index
      %swap3A_48 = tpu.vector_load %arg12[%swap3A, %swap3A_47] {strides = array<i32>} : memref<64x128xf32, #tpu.memory_space<vmem>>, vector<1x16xf32>,
      %swap3A_49 = vector.shape_cast %swap3A_48 : vector<1x16xf32> to vector<16xf32>
      %swap3A_50 = vector.shape_cast %broadcast_in_dim3A_0 : vector<16xf32> to vector<1x16xf32>
      tpu.vector_store %arg12[%swap3A, %swap3A_47], %swap3A_50 {strides = array<i32>} : memref<64x128xf32, #tpu.memory_space<vmem>>, vector<1x16xf32>,
      %swap3A_51 = arith.index_cast %scan3A_45 : i32 to index
      %swap3A_52 = arith.constant 16 : index
      %swap3A_53 = tpu.vector_load %arg12[%swap3A_51, %swap3A_52] {strides = array<i32>} : memref<64x128xf32, #tpu.memory_space<vmem>>, vector<1x16xf32>,
      %swap3A_54 = vector.shape_cast %swap3A_53 : vector<1x16xf32> to vector<16xf32>
      %swap3A_55 = vector.shape_cast %broadcast_in_dim3A_0 : vector<16xf32> to vector<1x16xf32>
      tpu.vector_store %arg12[%swap3A_51, %swap3A_52], %swap3A_55 {strides = array<i32>} : memref<64x128xf32, #tpu.memory_space<vmem>>, vector<1x16xf32>,
      %swap3A_56 = arith.index_cast %scan3A_45 : i32 to index
      %swap3A_57 = arith.constant 32 : index
      %swap3A_58 = tpu.vector_load %arg12[%swap3A_56, %swap3A_57] {strides = array<i32>} : memref<64x128xf32, #tpu.memory_space<vmem>>, vector<1x16xf32>,
      %swap3A_59 = vector.shape_cast %swap3A_58 : vector<1x16xf32> to vector<16xf32>
      %swap3A_60 = vector.shape_cast %broadcast_in_dim3A_0 : vector<16xf32> to vector<1x16xf32>
      tpu.vector_store %arg12[%swap3A_56, %swap3A_57], %swap3A_60 {strides = array<i32>} : memref<64x128xf32, #tpu.memory_space<vmem>>, vector<1x16xf32>,
      %swap3A_61 = arith.index_cast %scan3A_45 : i32 to index
      %swap3A_62 = arith.constant 48 : index
      %swap3A_63 = tpu.vector_load %arg12[%swap3A_61, %swap3A_62] {strides = array<i32>} : memref<64x128xf32, #tpu.memory_space<vmem>>, vector<1x16xf32>,
      %swap3A_64 = vector.shape_cast %swap3A_63 : vector<1x16xf32> to vector<16xf32>
      %swap3A_65 = vector.shape_cast %broadcast_in_dim3A_0 : vector<16xf32> to vector<1x16xf32>
      tpu.vector_store %arg12[%swap3A_61, %swap3A_62], %swap3A_65 {strides = array<i32>} : memref<64x128xf32, #tpu.memory_space<vmem>>, vector<1x16xf32>,
      %swap3A_66 = arith.index_cast %scan3A_45 : i32 to index
      %swap3A_67 = arith.constant 64 : index
      %swap3A_68 = tpu.vector_load %arg12[%swap3A_66, %swap3A_67] {strides = array<i32>} : memref<64x128xf32, #tpu.memory_space<vmem>>, vector<1x16xf32>,
      %swap3A_69 = vector.shape_cast %swap3A_68 : vector<1x16xf32> to vector<16xf32>
      %swap3A_70 = vector.shape_cast %broadcast_in_dim3A_0 : vector<16xf32> to vector<1x16xf32>
      tpu.vector_store %arg12[%swap3A_66, %swap3A_67], %swap3A_70 {strides = array<i32>} : memref<64x128xf32, #tpu.memory_space<vmem>>, vector<1x16xf32>,
      %swap3A_71 = arith.index_cast %scan3A_45 : i32 to index
      %swap3A_72 = arith.constant 80 : index
      %swap3A_73 = tpu.vector_load %arg12[%swap3A_71, %swap3A_72] {strides = array<i32>} : memref<64x128xf32, #tpu.memory_space<vmem>>, vector<1x16xf32>,
      %swap3A_74 = vector.shape_cast %swap3A_73 : vector<1x16xf32> to vector<16xf32>
      %swap3A_75 = vector.shape_cast %broadcast_in_dim3A_0 : vector<16xf32> to vector<1x16xf32>
      tpu.vector_store %arg12[%swap3A_71, %swap3A_72], %swap3A_75 {strides = array<i32>} : memref<64x128xf32, #tpu.memory_space<vmem>>, vector<1x16xf32>,
      %swap3A_76 = arith.index_cast %scan3A_45 : i32 to index
      %swap3A_77 = arith.constant 96 : index
      %swap3A_78 = tpu.vector_load %arg12[%swap3A_76, %swap3A_77] {strides = array<i32>} : memref<64x128xf32, #tpu.memory_space<vmem>>, vector<1x16xf32>,
      %swap3A_79 = vector.shape_cast %swap3A_78 : vector<1x16xf32> to vector<16xf32>
      %swap3A_80 = vector.shape_cast %broadcast_in_dim3A_0 : vector<16xf32> to vector<1x16xf32>
      tpu.vector_store %arg12[%swap3A_76, %swap3A_77], %swap3A_80 {strides = array<i32>} : memref<64x128xf32, #tpu.memory_space<vmem>>, vector<1x16xf32>,
      %swap3A_81 = arith.index_cast %scan3A_45 : i32 to index
      %swap3A_82 = arith.constant 112 : index
      %swap3A_83 = tpu.vector_load %arg12[%swap3A_81, %swap3A_82] {strides = array<i32>} : memref<64x128xf32, #tpu.memory_space<vmem>>, vector<1x16xf32>,
      %swap3A_84 = vector.shape_cast %swap3A_83 : vector<1x16xf32> to vector<16xf32>
      %swap3A_85 = vector.shape_cast %broadcast_in_dim3A_0 : vector<16xf32> to vector<1x16xf32>
      tpu.vector_store %arg12[%swap3A_81, %swap3A_82], %swap3A_85 {strides = array<i32>} : memref<64x128xf32, #tpu.memory_space<vmem>>, vector<1x16xf32>,
      %scan3A_86 = arith.constant 0 : i32
      scf.yield %scan3A_86 : i32
    }
    %scan3A_8 = arith.constant 64 : i32
    %scan3A_9 = arith.constant 0 : i32
    %scan3A_10 = arith.constant 0 : i32
    %scan3A_11 = arith.constant 4 : i32
    %scan3A_12 = arith.addi %scan3A_10, %scan3A_11 : i32
    %scan3A_13 = arith.constant 1 : i32
    %scan3A_14 = scf.for %scan3A_45 = %scan3A_10 to %scan3A_12 step %scan3A_13 iter_args(%scan3A_46 = %scan3A_9) -> (i32)  : i32 {
      %mul3A = arith.constant 16 : i32
      %mul3A_47 = arith.muli %scan3A_45, %mul3A : i32
      %swap3A = arith.index_cast %mul3A_47 : i32 to index
      %swap3A_48 = tpu.vector_load %arg18[%swap3A] {strides = array<i32>} : memref<64xf32, #tpu.memory_space<vmem>>, vector<16xf32>,
      %swap3A_49 = vector.shape_cast %swap3A_48 : vector<16xf32> to vector<16xf32>
      %swap3A_50 = vector.shape_cast %broadcast_in_dim3A_2 : vector<16xf32> to vector<16xf32>
      tpu.vector_store %arg18[%swap3A], %swap3A_50 {strides = array<i32>} : memref<64xf32, #tpu.memory_space<vmem>>, vector<16xf32>,
      %mul3A_51 = arith.constant 16 : i32
      %mul3A_52 = arith.muli %scan3A_45, %mul3A_51 : i32
      %swap3A_53 = arith.index_cast %mul3A_52 : i32 to index
      %swap3A_54 = tpu.vector_load %arg19[%swap3A_53] {strides = array<i32>} : memref<64xf32, #tpu.memory_space<vmem>>, vector<16xf32>,
      %swap3A_55 = vector.shape_cast %swap3A_54 : vector<16xf32> to vector<16xf32>
      %swap3A_56 = vector.shape_cast %broadcast_in_dim3A_0 : vector<16xf32> to vector<16xf32>
      tpu.vector_store %arg19[%swap3A_53], %swap3A_56 {strides = array<i32>} : memref<64xf32, #tpu.memory_space<vmem>>, vector<16xf32>,
      %scan3A_57 = arith.constant 0 : i32
      scf.yield %scan3A_57 : i32
    }
    %scan3A_15 = arith.constant 4 : i32
    %scan3A_16 = arith.constant 0 : i32
    %scan3A_17 = arith.constant 0 : i32
    %scan3A_18 = arith.constant 10 : i32
    %scan3A_19 = arith.addi %scan3A_17, %scan3A_18 : i32
    %scan3A_20 = arith.constant 1 : i32
    %scan3A_21 = scf.for %scan3A_45 = %scan3A_17 to %scan3A_19 step %scan3A_20 iter_args(%scan3A_46 = %scan3A_16) -> (i32)  : i32 {
      %mul3A = arith.constant 16 : i32
      %mul3A_47 = arith.muli %mul3A, %scan3A_45 : i32
      %add3A = arith.addi %arg1, %mul3A_47 : i32
      %lt3A = arith.constant 156 : i32
      %lt3A_48 = arith.cmpi slt, %add3A, %lt3A : i32
      %convert_element_type3A_49 = arith.extui %lt3A_48 : i1 to i32
      %cond3A_50 = arith.constant 0 : i32
      %cond3A_51 = arith.cmpi ne, %convert_element_type3A_49, %cond3A_50 : i32
      scf.if %cond3A_51 {
        %mul3A_53 = arith.constant 64 : i32
        %mul3A_54 = arith.muli %add3A, %mul3A_53 : i32
        "tpu.region"() ({
          %run_scoped3A = tpu.sem_alloc : memref<!tpu.dma_semaphore, #tpu.memory_space<semaphore_mem>>
          %dma_start3A = arith.constant 0 : i32
          %dma_start3A_55 = tpu.memref_slice %arg20[%mul3A_54, %dma_start3A] : memref<10000x128xf32, #tpu.memory_space<vmem_shared>> -> memref<64x128xf32, #tpu.memory_space<vmem_shared>>
          %dma_start3A_56 = arith.constant 0 : i32
          %dma_start3A_57 = tpu.memref_slice %arg20[%mul3A_54, %dma_start3A_56] : memref<10000x128xf32, #tpu.memory_space<vmem_shared>> -> memref<64x128xf32, #tpu.memory_space<vmem_shared>>
          tpu.enqueue_dma source(%arg12 : memref<64x128xf32, #tpu.memory_space<vmem>>) target(%dma_start3A_57 : memref<64x128xf32, #tpu.memory_space<vmem_shared>>) target_semaphore(%run_scoped3A : memref<!tpu.dma_semaphore, #tpu.memory_space<semaphore_mem>>)
          %dma_wait3A = arith.constant 0 : i32
          %dma_wait3A_58 = tpu.memref_slice %arg20[%mul3A_54, %dma_wait3A] : memref<10000x128xf32, #tpu.memory_space<vmem_shared>> -> memref<64x128xf32, #tpu.memory_space<vmem_shared>>
          %dma_wait3A_59 = arith.constant 0 : i32
          %dma_wait3A_60 = tpu.memref_slice %arg20[%mul3A_54, %dma_wait3A_59] : memref<10000x128xf32, #tpu.memory_space<vmem_shared>> -> memref<64x128xf32, #tpu.memory_space<vmem_shared>>
          tpu.wait_dma2 semaphore(%run_scoped3A : memref<!tpu.dma_semaphore, #tpu.memory_space<semaphore_mem>>) src(%arg12 : memref<64x128xf32, #tpu.memory_space<vmem>>) dst(%dma_wait3A_60 : memref<64x128xf32, #tpu.memory_space<vmem_shared>>)
          tpu.yield
        }) : () -> ()
        "tpu.region"() ({
          %run_scoped3A = tpu.sem_alloc : memref<!tpu.dma_semaphore, #tpu.memory_space<semaphore_mem>>
          %dma_start3A = tpu.memref_slice %arg21[%mul3A_54] : memref<10000xf32, #tpu.memory_space<vmem_shared>> -> memref<64xf32, #tpu.memory_space<vmem_shared>>
          %dma_start3A_55 = tpu.memref_slice %arg21[%mul3A_54] : memref<10000xf32, #tpu.memory_space<vmem_shared>> -> memref<64xf32, #tpu.memory_space<vmem_shared>>
          tpu.enqueue_dma source(%arg19 : memref<64xf32, #tpu.memory_space<vmem>>) target(%dma_start3A_55 : memref<64xf32, #tpu.memory_space<vmem_shared>>) target_semaphore(%run_scoped3A : memref<!tpu.dma_semaphore, #tpu.memory_space<semaphore_mem>>)
          %dma_wait3A = tpu.memref_slice %arg21[%mul3A_54] : memref<10000xf32, #tpu.memory_space<vmem_shared>> -> memref<64xf32, #tpu.memory_space<vmem_shared>>
          %dma_wait3A_56 = tpu.memref_slice %arg21[%mul3A_54] : memref<10000xf32, #tpu.memory_space<vmem_shared>> -> memref<64xf32, #tpu.memory_space<vmem_shared>>
          tpu.wait_dma2 semaphore(%run_scoped3A : memref<!tpu.dma_semaphore, #tpu.memory_space<semaphore_mem>>) src(%arg19 : memref<64xf32, #tpu.memory_space<vmem>>) dst(%dma_wait3A_56 : memref<64xf32, #tpu.memory_space<vmem_shared>>)
          tpu.yield
        }) : () -> ()
      } else {
      }
      %scan3A_52 = arith.constant 0 : i32
      scf.yield %scan3A_52 : i32
    }
    %scan3A_22 = arith.constant 10 : i32
    %eq3A = arith.constant 12 : i32
    %eq3A_23 = arith.cmpi eq, %arg1, %eq3A : i32
    %convert_element_type3A = arith.extui %eq3A_23 : i1 to i32
    %cond3A = arith.constant 0 : i32
    %cond3A_24 = arith.cmpi ne, %convert_element_type3A, %cond3A : i32
    scf.if %cond3A_24 {
      "tpu.region"() ({
        %run_scoped3A = tpu.sem_alloc : memref<!tpu.dma_semaphore, #tpu.memory_space<semaphore_mem>>
        %dma_start3A = arith.constant 0 : i32
        %dma_start3A_45 = arith.constant 0 : i32
        %dma_start3A_46 = tpu.memref_slice %arg12[%dma_start3A, %dma_start3A_45] : memref<64x128xf32, #tpu.memory_space<vmem>> -> memref<16x128xf32, #tpu.memory_space<vmem>>
        %dma_start3A_47 = arith.constant 9984 : i32
        %dma_start3A_48 = arith.constant 0 : i32
        %dma_start3A_49 = tpu.memref_slice %arg20[%dma_start3A_47, %dma_start3A_48] : memref<10000x128xf32, #tpu.memory_space<vmem_shared>> -> memref<16x128xf32, #tpu.memory_space<vmem_shared>>
        %dma_start3A_50 = arith.constant 9984 : i32
        %dma_start3A_51 = arith.constant 0 : i32
        %dma_start3A_52 = tpu.memref_slice %arg20[%dma_start3A_50, %dma_start3A_51] : memref<10000x128xf32, #tpu.memory_space<vmem_shared>> -> memref<16x128xf32, #tpu.memory_space<vmem_shared>>
        %dma_start3A_53 = arith.constant 0 : i32
        %dma_start3A_54 = arith.constant 0 : i32
        %dma_start3A_55 = tpu.memref_slice %arg12[%dma_start3A_53, %dma_start3A_54] : memref<64x128xf32, #tpu.memory_space<vmem>> -> memref<16x128xf32, #tpu.memory_space<vmem>>
        tpu.enqueue_dma source(%dma_start3A_55 : memref<16x128xf32, #tpu.memory_space<vmem>>) target(%dma_start3A_52 : memref<16x128xf32, #tpu.memory_space<vmem_shared>>) target_semaphore(%run_scoped3A : memref<!tpu.dma_semaphore, #tpu.memory_space<semaphore_mem>>)
        %dma_wait3A = arith.constant 0 : i32
        %dma_wait3A_56 = arith.constant 0 : i32
        %dma_wait3A_57 = tpu.memref_slice %arg12[%dma_wait3A, %dma_wait3A_56] : memref<64x128xf32, #tpu.memory_space<vmem>> -> memref<16x128xf32, #tpu.memory_space<vmem>>
        %dma_wait3A_58 = arith.constant 9984 : i32
        %dma_wait3A_59 = arith.constant 0 : i32
        %dma_wait3A_60 = tpu.memref_slice %arg20[%dma_wait3A_58, %dma_wait3A_59] : memref<10000x128xf32, #tpu.memory_space<vmem_shared>> -> memref<16x128xf32, #tpu.memory_space<vmem_shared>>
        %dma_wait3A_61 = arith.constant 9984 : i32
        %dma_wait3A_62 = arith.constant 0 : i32
        %dma_wait3A_63 = tpu.memref_slice %arg20[%dma_wait3A_61, %dma_wait3A_62] : memref<10000x128xf32, #tpu.memory_space<vmem_shared>> -> memref<16x128xf32, #tpu.memory_space<vmem_shared>>
        %dma_wait3A_64 = arith.constant 0 : i32
        %dma_wait3A_65 = arith.constant 0 : i32
        %dma_wait3A_66 = tpu.memref_slice %arg12[%dma_wait3A_64, %dma_wait3A_65] : memref<64x128xf32, #tpu.memory_space<vmem>> -> memref<16x128xf32, #tpu.memory_space<vmem>>
        tpu.wait_dma2 semaphore(%run_scoped3A : memref<!tpu.dma_semaphore, #tpu.memory_space<semaphore_mem>>) src(%dma_wait3A_66 : memref<16x128xf32, #tpu.memory_space<vmem>>) dst(%dma_wait3A_63 : memref<16x128xf32, #tpu.memory_space<vmem_shared>>)
        tpu.yield
      }) : () -> ()
      "tpu.region"() ({
        %run_scoped3A = tpu.sem_alloc : memref<!tpu.dma_semaphore, #tpu.memory_space<semaphore_mem>>
        %dma_start3A = arith.constant 0 : i32
        %dma_start3A_45 = tpu.memref_slice %arg19[%dma_start3A] : memref<64xf32, #tpu.memory_space<vmem>> -> memref<16xf32, #tpu.memory_space<vmem>>
        %dma_start3A_46 = arith.constant 9984 : i32
        %dma_start3A_47 = tpu.memref_slice %arg21[%dma_start3A_46] : memref<10000xf32, #tpu.memory_space<vmem_shared>> -> memref<16xf32, #tpu.memory_space<vmem_shared>>
        %dma_start3A_48 = arith.constant 9984 : i32
        %dma_start3A_49 = tpu.memref_slice %arg21[%dma_start3A_48] : memref<10000xf32, #tpu.memory_space<vmem_shared>> -> memref<16xf32, #tpu.memory_space<vmem_shared>>
        %dma_start3A_50 = arith.constant 0 : i32
        %dma_start3A_51 = tpu.memref_slice %arg19[%dma_start3A_50] : memref<64xf32, #tpu.memory_space<vmem>> -> memref<16xf32, #tpu.memory_space<vmem>>
        tpu.enqueue_dma source(%dma_start3A_51 : memref<16xf32, #tpu.memory_space<vmem>>) target(%dma_start3A_49 : memref<16xf32, #tpu.memory_space<vmem_shared>>) target_semaphore(%run_scoped3A : memref<!tpu.dma_semaphore, #tpu.memory_space<semaphore_mem>>)
        %dma_wait3A = arith.constant 0 : i32
        %dma_wait3A_52 = tpu.memref_slice %arg19[%dma_wait3A] : memref<64xf32, #tpu.memory_space<vmem>> -> memref<16xf32, #tpu.memory_space<vmem>>
        %dma_wait3A_53 = arith.constant 9984 : i32
        %dma_wait3A_54 = tpu.memref_slice %arg21[%dma_wait3A_53] : memref<10000xf32, #tpu.memory_space<vmem_shared>> -> memref<16xf32, #tpu.memory_space<vmem_shared>>
        %dma_wait3A_55 = arith.constant 9984 : i32
        %dma_wait3A_56 = tpu.memref_slice %arg21[%dma_wait3A_55] : memref<10000xf32, #tpu.memory_space<vmem_shared>> -> memref<16xf32, #tpu.memory_space<vmem_shared>>
        %dma_wait3A_57 = arith.constant 0 : i32
        %dma_wait3A_58 = tpu.memref_slice %arg19[%dma_wait3A_57] : memref<64xf32, #tpu.memory_space<vmem>> -> memref<16xf32, #tpu.memory_space<vmem>>
        tpu.wait_dma2 semaphore(%run_scoped3A : memref<!tpu.dma_semaphore, #tpu.memory_space<semaphore_mem>>) src(%dma_wait3A_58 : memref<16xf32, #tpu.memory_space<vmem>>) dst(%dma_wait3A_56 : memref<16xf32, #tpu.memory_space<vmem_shared>>)
        tpu.yield
      }) : () -> ()
    } else {
    }
    %barrier3A = arith.constant 0 : index
    tpu.barrier barrier_id(%barrier3A)
    %scan3A_25 = arith.constant 0 : i32
    %scan3A_26 = arith.constant 0 : i32
    %scan3A_27 = arith.constant 28 : i32
    %scan3A_28 = arith.addi %scan3A_26, %scan3A_27 : i32
    %scan3A_29 = arith.constant 1 : i32
    %scan3A_30 = scf.for %scan3A_45 = %scan3A_26 to %scan3A_28 step %scan3A_29 iter_args(%scan3A_46 = %scan3A_25) -> (i32)  : i32 {
      %mul3A = arith.constant 2 : i32
      %mul3A_47 = arith.muli %mul3A, %scan3A_45 : i32
      %add3A = arith.constant 0 : i32
      %add3A_48 = arith.addi %mul3A_47, %add3A : i32
      %ge3A = arith.constant 2 : i32
      %ge3A_49 = arith.cmpi sge, %add3A_48, %ge3A : i32
      %sub3A = arith.constant 2 : i32
      %sub3A_50 = arith.subi %add3A_48, %sub3A : i32
      %mul3A_51 = arith.constant 3 : i32
      %mul3A_52 = arith.muli %mul3A_51, %sub3A_50 : i32
      %add3A_53 = arith.constant 0 : i32
      %add3A_54 = arith.addi %mul3A_52, %add3A_53 : i32
      %mul3A_55 = arith.constant 16 : i32
      %mul3A_56 = arith.muli %mul3A_55, %add3A_54 : i32
      %add3A_57 = arith.addi %arg1, %mul3A_56 : i32
      %lt3A = arith.constant 2500 : i32
      %lt3A_58 = arith.cmpi slt, %add3A_57, %lt3A : i32
      %and3A = arith.andi %ge3A_49, %lt3A_58 : i1
      %convert_element_type3A_59 = arith.extui %and3A : i1 to i32
      %cond3A_60 = arith.constant 0 : i32
      %cond3A_61 = arith.cmpi ne, %convert_element_type3A_59, %cond3A_60 : i32
      scf.if %cond3A_61 {
        %dma_wait3A = arith.constant 1 : i32
        %dma_wait3A_422 = arith.constant 0 : i32
        %dma_wait3A_423 = tpu.memref_slice %arg6[%dma_wait3A, %dma_wait3A_422] : memref<2x64xi32, #tpu.memory_space<vmem>> -> memref<1x64xi32, #tpu.memory_space<vmem>>
        %dma_wait3A_424 = tpu.memref_squeeze %dma_wait3A_423 : memref<1x64xi32, #tpu.memory_space<vmem>> -> memref<64xi32, #tpu.memory_space<vmem>>
        %dma_wait3A_425 = arith.constant 0 : i32
        %dma_wait3A_426 = arith.constant 0 : i32
        %dma_wait3A_427 = tpu.memref_slice %arg20[%dma_wait3A_425, %dma_wait3A_426] : memref<10000x128xf32, #tpu.memory_space<vmem_shared>> -> memref<10000x128xf32, #tpu.memory_space<vmem_shared>>
        tpu.wait_indirect_dma semaphore(%arg34 : memref<!tpu.dma_semaphore, #tpu.memory_space<semaphore_mem>>) src(%arg12 : memref<64x128xf32, #tpu.memory_space<vmem>>) dst(%dma_wait3A_427 : memref<10000x128xf32, #tpu.memory_space<vmem_shared>>)
        %dma_wait3A_428 = arith.constant 1 : i32
        %dma_wait3A_429 = arith.constant 0 : i32
        %dma_wait3A_430 = tpu.memref_slice %arg6[%dma_wait3A_428, %dma_wait3A_429] : memref<2x64xi32, #tpu.memory_space<vmem>> -> memref<1x64xi32, #tpu.memory_space<vmem>>
        %dma_wait3A_431 = tpu.memref_squeeze %dma_wait3A_430 : memref<1x64xi32, #tpu.memory_space<vmem>> -> memref<64xi32, #tpu.memory_space<vmem>>
        %dma_wait3A_432 = arith.constant 0 : i32
        %dma_wait3A_433 = tpu.memref_slice %arg21[%dma_wait3A_432] : memref<10000xf32, #tpu.memory_space<vmem_shared>> -> memref<10000xf32, #tpu.memory_space<vmem_shared>>
        tpu.wait_indirect_dma semaphore(%arg40 : memref<!tpu.dma_semaphore, #tpu.memory_space<semaphore_mem>>) src(%arg18 : memref<64xf32, #tpu.memory_space<vmem>>) dst(%dma_wait3A_433 : memref<10000xf32, #tpu.memory_space<vmem_shared>>)
      } else {
      }
      %ge3A_62 = arith.constant 2 : i32
      %ge3A_63 = arith.cmpi sge, %add3A_48, %ge3A_62 : i32
      %sub3A_64 = arith.constant 2 : i32
      %sub3A_65 = arith.subi %add3A_48, %sub3A_64 : i32
      %mul3A_66 = arith.constant 3 : i32
      %mul3A_67 = arith.muli %mul3A_66, %sub3A_65 : i32
      %add3A_68 = arith.constant 1 : i32
      %add3A_69 = arith.addi %mul3A_67, %add3A_68 : i32
      %mul3A_70 = arith.constant 16 : i32
      %mul3A_71 = arith.muli %mul3A_70, %add3A_69 : i32
      %add3A_72 = arith.addi %arg1, %mul3A_71 : i32
      %lt3A_73 = arith.constant 2500 : i32
      %lt3A_74 = arith.cmpi slt, %add3A_72, %lt3A_73 : i32
      %and3A_75 = arith.andi %ge3A_63, %lt3A_74 : i1
      %convert_element_type3A_76 = arith.extui %and3A_75 : i1 to i32
      %cond3A_77 = arith.constant 0 : i32
      %cond3A_78 = arith.cmpi ne, %convert_element_type3A_76, %cond3A_77 : i32
      scf.if %cond3A_78 {
        %dma_wait3A = arith.constant 1 : i32
        %dma_wait3A_422 = arith.constant 0 : i32
        %dma_wait3A_423 = tpu.memref_slice %arg7[%dma_wait3A, %dma_wait3A_422] : memref<2x64xi32, #tpu.memory_space<vmem>> -> memref<1x64xi32, #tpu.memory_space<vmem>>
        %dma_wait3A_424 = tpu.memref_squeeze %dma_wait3A_423 : memref<1x64xi32, #tpu.memory_space<vmem>> -> memref<64xi32, #tpu.memory_space<vmem>>
        %dma_wait3A_425 = arith.constant 0 : i32
        %dma_wait3A_426 = arith.constant 0 : i32
        %dma_wait3A_427 = tpu.memref_slice %arg20[%dma_wait3A_425, %dma_wait3A_426] : memref<10000x128xf32, #tpu.memory_space<vmem_shared>> -> memref<10000x128xf32, #tpu.memory_space<vmem_shared>>
        tpu.wait_indirect_dma semaphore(%arg35 : memref<!tpu.dma_semaphore, #tpu.memory_space<semaphore_mem>>) src(%arg13 : memref<64x128xf32, #tpu.memory_space<vmem>>) dst(%dma_wait3A_427 : memref<10000x128xf32, #tpu.memory_space<vmem_shared>>)
        %dma_wait3A_428 = arith.constant 1 : i32
        %dma_wait3A_429 = arith.constant 0 : i32
        %dma_wait3A_430 = tpu.memref_slice %arg7[%dma_wait3A_428, %dma_wait3A_429] : memref<2x64xi32, #tpu.memory_space<vmem>> -> memref<1x64xi32, #tpu.memory_space<vmem>>
        %dma_wait3A_431 = tpu.memref_squeeze %dma_wait3A_430 : memref<1x64xi32, #tpu.memory_space<vmem>> -> memref<64xi32, #tpu.memory_space<vmem>>
        %dma_wait3A_432 = arith.constant 0 : i32
        %dma_wait3A_433 = tpu.memref_slice %arg21[%dma_wait3A_432] : memref<10000xf32, #tpu.memory_space<vmem_shared>> -> memref<10000xf32, #tpu.memory_space<vmem_shared>>
        tpu.wait_indirect_dma semaphore(%arg41 : memref<!tpu.dma_semaphore, #tpu.memory_space<semaphore_mem>>) src(%arg18 : memref<64xf32, #tpu.memory_space<vmem>>) dst(%dma_wait3A_433 : memref<10000xf32, #tpu.memory_space<vmem_shared>>)
      } else {
      }
      %ge3A_79 = arith.constant 2 : i32
      %ge3A_80 = arith.cmpi sge, %add3A_48, %ge3A_79 : i32
      %sub3A_81 = arith.constant 2 : i32
      %sub3A_82 = arith.subi %add3A_48, %sub3A_81 : i32
      %mul3A_83 = arith.constant 3 : i32
      %mul3A_84 = arith.muli %mul3A_83, %sub3A_82 : i32
      %add3A_85 = arith.constant 2 : i32
      %add3A_86 = arith.addi %mul3A_84, %add3A_85 : i32
      %mul3A_87 = arith.constant 16 : i32
      %mul3A_88 = arith.muli %mul3A_87, %add3A_86 : i32
      %add3A_89 = arith.addi %arg1, %mul3A_88 : i32
      %lt3A_90 = arith.constant 2500 : i32
      %lt3A_91 = arith.cmpi slt, %add3A_89, %lt3A_90 : i32
      %and3A_92 = arith.andi %ge3A_80, %lt3A_91 : i1
      %convert_element_type3A_93 = arith.extui %and3A_92 : i1 to i32
      %cond3A_94 = arith.constant 0 : i32
      %cond3A_95 = arith.cmpi ne, %convert_element_type3A_93, %cond3A_94 : i32
      scf.if %cond3A_95 {
        %dma_wait3A = arith.constant 1 : i32
        %dma_wait3A_422 = arith.constant 0 : i32
        %dma_wait3A_423 = tpu.memref_slice %arg8[%dma_wait3A, %dma_wait3A_422] : memref<2x64xi32, #tpu.memory_space<vmem>> -> memref<1x64xi32, #tpu.memory_space<vmem>>
        %dma_wait3A_424 = tpu.memref_squeeze %dma_wait3A_423 : memref<1x64xi32, #tpu.memory_space<vmem>> -> memref<64xi32, #tpu.memory_space<vmem>>
        %dma_wait3A_425 = arith.constant 0 : i32
        %dma_wait3A_426 = arith.constant 0 : i32
        %dma_wait3A_427 = tpu.memref_slice %arg20[%dma_wait3A_425, %dma_wait3A_426] : memref<10000x128xf32, #tpu.memory_space<vmem_shared>> -> memref<10000x128xf32, #tpu.memory_space<vmem_shared>>
        tpu.wait_indirect_dma semaphore(%arg36 : memref<!tpu.dma_semaphore, #tpu.memory_space<semaphore_mem>>) src(%arg14 : memref<64x128xf32, #tpu.memory_space<vmem>>) dst(%dma_wait3A_427 : memref<10000x128xf32, #tpu.memory_space<vmem_shared>>)
        %dma_wait3A_428 = arith.constant 1 : i32
        %dma_wait3A_429 = arith.constant 0 : i32
        %dma_wait3A_430 = tpu.memref_slice %arg8[%dma_wait3A_428, %dma_wait3A_429] : memref<2x64xi32, #tpu.memory_space<vmem>> -> memref<1x64xi32, #tpu.memory_space<vmem>>
        %dma_wait3A_431 = tpu.memref_squeeze %dma_wait3A_430 : memref<1x64xi32, #tpu.memory_space<vmem>> -> memref<64xi32, #tpu.memory_space<vmem>>
        %dma_wait3A_432 = arith.constant 0 : i32
        %dma_wait3A_433 = tpu.memref_slice %arg21[%dma_wait3A_432] : memref<10000xf32, #tpu.memory_space<vmem_shared>> -> memref<10000xf32, #tpu.memory_space<vmem_shared>>
        tpu.wait_indirect_dma semaphore(%arg42 : memref<!tpu.dma_semaphore, #tpu.memory_space<semaphore_mem>>) src(%arg18 : memref<64xf32, #tpu.memory_space<vmem>>) dst(%dma_wait3A_433 : memref<10000xf32, #tpu.memory_space<vmem_shared>>)
      } else {
      }
      %mul3A_96 = arith.constant 3 : i32
      %mul3A_97 = arith.muli %mul3A_96, %add3A_48 : i32
      %add3A_98 = arith.constant 0 : i32
      %add3A_99 = arith.addi %mul3A_97, %add3A_98 : i32
      %lt3A_100 = arith.constant 53 : i32
      %lt3A_101 = arith.cmpi slt, %add3A_48, %lt3A_100 : i32
      %mul3A_102 = arith.constant 16 : i32
      %mul3A_103 = arith.muli %mul3A_102, %add3A_99 : i32
      %add3A_104 = arith.addi %arg1, %mul3A_103 : i32
      %lt3A_105 = arith.constant 2500 : i32
      %lt3A_106 = arith.cmpi slt, %add3A_104, %lt3A_105 : i32
      %and3A_107 = arith.andi %lt3A_101, %lt3A_106 : i1
      %convert_element_type3A_108 = arith.extui %and3A_107 : i1 to i32
      %cond3A_109 = arith.constant 0 : i32
      %cond3A_110 = arith.cmpi ne, %convert_element_type3A_108, %cond3A_109 : i32
      scf.if %cond3A_110 {
        %mul3A_422 = arith.constant 2500 : i32
        %mul3A_423 = arith.muli %arg0, %mul3A_422 : i32
        %add3A_424 = arith.addi %mul3A_423, %arg1 : i32
        %mul3A_425 = arith.constant 16 : i32
        %mul3A_426 = arith.muli %mul3A_425, %add3A_99 : i32
        %add3A_427 = arith.addi %add3A_424, %mul3A_426 : i32
        %mul3A_428 = arith.constant 64 : i32
        %mul3A_429 = arith.muli %add3A_427, %mul3A_428 : i32
        %dma_start3A = arith.constant 0 : i32
        %dma_start3A_430 = tpu.memref_slice %arg3[%dma_start3A, %mul3A_429] : memref<2x320000xi32, #tpu.memory_space<hbm>> -> memref<2x64xi32, #tpu.memory_space<hbm>>
        %dma_start3A_431 = arith.constant 0 : i32
        %dma_start3A_432 = tpu.memref_slice %arg3[%dma_start3A_431, %mul3A_429] : memref<2x320000xi32, #tpu.memory_space<hbm>> -> memref<2x64xi32, #tpu.memory_space<hbm>>
        tpu.enqueue_dma source(%dma_start3A_432 : memref<2x64xi32, #tpu.memory_space<hbm>>) target(%arg6 : memref<2x64xi32, #tpu.memory_space<vmem>>) target_semaphore(%arg22 : memref<!tpu.dma_semaphore, #tpu.memory_space<semaphore_mem>>)
      } else {
      }
      %mul3A_111 = arith.constant 3 : i32
      %mul3A_112 = arith.muli %mul3A_111, %add3A_48 : i32
      %add3A_113 = arith.constant 1 : i32
      %add3A_114 = arith.addi %mul3A_112, %add3A_113 : i32
      %lt3A_115 = arith.constant 53 : i32
      %lt3A_116 = arith.cmpi slt, %add3A_48, %lt3A_115 : i32
      %mul3A_117 = arith.constant 16 : i32
      %mul3A_118 = arith.muli %mul3A_117, %add3A_114 : i32
      %add3A_119 = arith.addi %arg1, %mul3A_118 : i32
      %lt3A_120 = arith.constant 2500 : i32
      %lt3A_121 = arith.cmpi slt, %add3A_119, %lt3A_120 : i32
      %and3A_122 = arith.andi %lt3A_116, %lt3A_121 : i1
      %convert_element_type3A_123 = arith.extui %and3A_122 : i1 to i32
      %cond3A_124 = arith.constant 0 : i32
      %cond3A_125 = arith.cmpi ne, %convert_element_type3A_123, %cond3A_124 : i32
      scf.if %cond3A_125 {
        %mul3A_422 = arith.constant 2500 : i32
        %mul3A_423 = arith.muli %arg0, %mul3A_422 : i32
        %add3A_424 = arith.addi %mul3A_423, %arg1 : i32
        %mul3A_425 = arith.constant 16 : i32
        %mul3A_426 = arith.muli %mul3A_425, %add3A_114 : i32
        %add3A_427 = arith.addi %add3A_424, %mul3A_426 : i32
        %mul3A_428 = arith.constant 64 : i32
        %mul3A_429 = arith.muli %add3A_427, %mul3A_428 : i32
        %dma_start3A = arith.constant 0 : i32
        %dma_start3A_430 = tpu.memref_slice %arg3[%dma_start3A, %mul3A_429] : memref<2x320000xi32, #tpu.memory_space<hbm>> -> memref<2x64xi32, #tpu.memory_space<hbm>>
        %dma_start3A_431 = arith.constant 0 : i32
        %dma_start3A_432 = tpu.memref_slice %arg3[%dma_start3A_431, %mul3A_429] : memref<2x320000xi32, #tpu.memory_space<hbm>> -> memref<2x64xi32, #tpu.memory_space<hbm>>
        tpu.enqueue_dma source(%dma_start3A_432 : memref<2x64xi32, #tpu.memory_space<hbm>>) target(%arg7 : memref<2x64xi32, #tpu.memory_space<vmem>>) target_semaphore(%arg23 : memref<!tpu.dma_semaphore, #tpu.memory_space<semaphore_mem>>)
      } else {
      }
      %mul3A_126 = arith.constant 3 : i32
      %mul3A_127 = arith.muli %mul3A_126, %add3A_48 : i32
      %add3A_128 = arith.constant 2 : i32
      %add3A_129 = arith.addi %mul3A_127, %add3A_128 : i32
      %lt3A_130 = arith.constant 53 : i32
      %lt3A_131 = arith.cmpi slt, %add3A_48, %lt3A_130 : i32
      %mul3A_132 = arith.constant 16 : i32
      %mul3A_133 = arith.muli %mul3A_132, %add3A_129 : i32
      %add3A_134 = arith.addi %arg1, %mul3A_133 : i32
      %lt3A_135 = arith.constant 2500 : i32
      %lt3A_136 = arith.cmpi slt, %add3A_134, %lt3A_135 : i32
      %and3A_137 = arith.andi %lt3A_131, %lt3A_136 : i1
      %convert_element_type3A_138 = arith.extui %and3A_137 : i1 to i32
      %cond3A_139 = arith.constant 0 : i32
      %cond3A_140 = arith.cmpi ne, %convert_element_type3A_138, %cond3A_139 : i32
      scf.if %cond3A_140 {
        %mul3A_422 = arith.constant 2500 : i32
        %mul3A_423 = arith.muli %arg0, %mul3A_422 : i32
        %add3A_424 = arith.addi %mul3A_423, %arg1 : i32
        %mul3A_425 = arith.constant 16 : i32
        %mul3A_426 = arith.muli %mul3A_425, %add3A_129 : i32
        %add3A_427 = arith.addi %add3A_424, %mul3A_426 : i32
        %mul3A_428 = arith.constant 64 : i32
        %mul3A_429 = arith.muli %add3A_427, %mul3A_428 : i32
        %dma_start3A = arith.constant 0 : i32
        %dma_start3A_430 = tpu.memref_slice %arg3[%dma_start3A, %mul3A_429] : memref<2x320000xi32, #tpu.memory_space<hbm>> -> memref<2x64xi32, #tpu.memory_space<hbm>>
        %dma_start3A_431 = arith.constant 0 : i32
        %dma_start3A_432 = tpu.memref_slice %arg3[%dma_start3A_431, %mul3A_429] : memref<2x320000xi32, #tpu.memory_space<hbm>> -> memref<2x64xi32, #tpu.memory_space<hbm>>
        tpu.enqueue_dma source(%dma_start3A_432 : memref<2x64xi32, #tpu.memory_space<hbm>>) target(%arg8 : memref<2x64xi32, #tpu.memory_space<vmem>>) target_semaphore(%arg24 : memref<!tpu.dma_semaphore, #tpu.memory_space<semaphore_mem>>)
      } else {
      }
      %mul3A_141 = arith.constant 3 : i32
      %mul3A_142 = arith.muli %mul3A_141, %add3A_48 : i32
      %add3A_143 = arith.constant 0 : i32
      %add3A_144 = arith.addi %mul3A_142, %add3A_143 : i32
      %lt3A_145 = arith.constant 53 : i32
      %lt3A_146 = arith.cmpi slt, %add3A_48, %lt3A_145 : i32
      %mul3A_147 = arith.constant 16 : i32
      %mul3A_148 = arith.muli %mul3A_147, %add3A_144 : i32
      %add3A_149 = arith.addi %arg1, %mul3A_148 : i32
      %lt3A_150 = arith.constant 2500 : i32
      %lt3A_151 = arith.cmpi slt, %add3A_149, %lt3A_150 : i32
      %and3A_152 = arith.andi %lt3A_146, %lt3A_151 : i1
      %convert_element_type3A_153 = arith.extui %and3A_152 : i1 to i32
      %cond3A_154 = arith.constant 0 : i32
      %cond3A_155 = arith.cmpi ne, %convert_element_type3A_153, %cond3A_154 : i32
      scf.if %cond3A_155 {
        %dma_wait3A = arith.constant 0 : i32
        %dma_wait3A_422 = arith.constant 0 : i32
        %dma_wait3A_423 = tpu.memref_slice %arg3[%dma_wait3A, %dma_wait3A_422] : memref<2x320000xi32, #tpu.memory_space<hbm>> -> memref<2x64xi32, #tpu.memory_space<hbm>>
        %dma_wait3A_424 = arith.constant 0 : i32
        %dma_wait3A_425 = arith.constant 0 : i32
        %dma_wait3A_426 = tpu.memref_slice %arg3[%dma_wait3A_424, %dma_wait3A_425] : memref<2x320000xi32, #tpu.memory_space<hbm>> -> memref<2x64xi32, #tpu.memory_space<hbm>>
        tpu.wait_dma2 semaphore(%arg22 : memref<!tpu.dma_semaphore, #tpu.memory_space<semaphore_mem>>) src(%dma_wait3A_426 : memref<2x64xi32, #tpu.memory_space<hbm>>) dst(%arg6 : memref<2x64xi32, #tpu.memory_space<vmem>>)
        %dma_start3A = arith.constant 0 : i32
        %dma_start3A_427 = arith.constant 0 : i32
        %dma_start3A_428 = tpu.memref_slice %arg6[%dma_start3A, %dma_start3A_427] : memref<2x64xi32, #tpu.memory_space<vmem>> -> memref<1x64xi32, #tpu.memory_space<vmem>>
        %dma_start3A_429 = tpu.memref_squeeze %dma_start3A_428 : memref<1x64xi32, #tpu.memory_space<vmem>> -> memref<64xi32, #tpu.memory_space<vmem>>
        %dma_start3A_430 = arith.constant 0 : i32
        %dma_start3A_431 = arith.constant 0 : i32
        %dma_start3A_432 = tpu.memref_slice %arg2[%dma_start3A_430, %dma_start3A_431] : memref<10000x128xf32, #tpu.memory_space<hbm>> -> memref<10000x128xf32, #tpu.memory_space<hbm>>
        tpu.enqueue_indirect_dma source(%dma_start3A_432 : memref<10000x128xf32, #tpu.memory_space<hbm>>) target(%arg12 : memref<64x128xf32, #tpu.memory_space<vmem>>) offsets(%dma_start3A_429 : memref<64xi32, #tpu.memory_space<vmem>>) semaphore(%arg28 : memref<!tpu.dma_semaphore, #tpu.memory_space<semaphore_mem>>)
      } else {
      }
      %mul3A_156 = arith.constant 3 : i32
      %mul3A_157 = arith.muli %mul3A_156, %add3A_48 : i32
      %add3A_158 = arith.constant 1 : i32
      %add3A_159 = arith.addi %mul3A_157, %add3A_158 : i32
      %lt3A_160 = arith.constant 53 : i32
      %lt3A_161 = arith.cmpi slt, %add3A_48, %lt3A_160 : i32
      %mul3A_162 = arith.constant 16 : i32
      %mul3A_163 = arith.muli %mul3A_162, %add3A_159 : i32
      %add3A_164 = arith.addi %arg1, %mul3A_163 : i32
      %lt3A_165 = arith.constant 2500 : i32
      %lt3A_166 = arith.cmpi slt, %add3A_164, %lt3A_165 : i32
      %and3A_167 = arith.andi %lt3A_161, %lt3A_166 : i1
      %convert_element_type3A_168 = arith.extui %and3A_167 : i1 to i32
      %cond3A_169 = arith.constant 0 : i32
      %cond3A_170 = arith.cmpi ne, %convert_element_type3A_168, %cond3A_169 : i32
      scf.if %cond3A_170 {
        %dma_wait3A = arith.constant 0 : i32
        %dma_wait3A_422 = arith.constant 0 : i32
        %dma_wait3A_423 = tpu.memref_slice %arg3[%dma_wait3A, %dma_wait3A_422] : memref<2x320000xi32, #tpu.memory_space<hbm>> -> memref<2x64xi32, #tpu.memory_space<hbm>>
        %dma_wait3A_424 = arith.constant 0 : i32
        %dma_wait3A_425 = arith.constant 0 : i32
        %dma_wait3A_426 = tpu.memref_slice %arg3[%dma_wait3A_424, %dma_wait3A_425] : memref<2x320000xi32, #tpu.memory_space<hbm>> -> memref<2x64xi32, #tpu.memory_space<hbm>>
        tpu.wait_dma2 semaphore(%arg23 : memref<!tpu.dma_semaphore, #tpu.memory_space<semaphore_mem>>) src(%dma_wait3A_426 : memref<2x64xi32, #tpu.memory_space<hbm>>) dst(%arg7 : memref<2x64xi32, #tpu.memory_space<vmem>>)
        %dma_start3A = arith.constant 0 : i32
        %dma_start3A_427 = arith.constant 0 : i32
        %dma_start3A_428 = tpu.memref_slice %arg7[%dma_start3A, %dma_start3A_427] : memref<2x64xi32, #tpu.memory_space<vmem>> -> memref<1x64xi32, #tpu.memory_space<vmem>>
        %dma_start3A_429 = tpu.memref_squeeze %dma_start3A_428 : memref<1x64xi32, #tpu.memory_space<vmem>> -> memref<64xi32, #tpu.memory_space<vmem>>
        %dma_start3A_430 = arith.constant 0 : i32
        %dma_start3A_431 = arith.constant 0 : i32
        %dma_start3A_432 = tpu.memref_slice %arg2[%dma_start3A_430, %dma_start3A_431] : memref<10000x128xf32, #tpu.memory_space<hbm>> -> memref<10000x128xf32, #tpu.memory_space<hbm>>
        tpu.enqueue_indirect_dma source(%dma_start3A_432 : memref<10000x128xf32, #tpu.memory_space<hbm>>) target(%arg13 : memref<64x128xf32, #tpu.memory_space<vmem>>) offsets(%dma_start3A_429 : memref<64xi32, #tpu.memory_space<vmem>>) semaphore(%arg29 : memref<!tpu.dma_semaphore, #tpu.memory_space<semaphore_mem>>)
      } else {
      }
      %mul3A_171 = arith.constant 3 : i32
      %mul3A_172 = arith.muli %mul3A_171, %add3A_48 : i32
      %add3A_173 = arith.constant 2 : i32
      %add3A_174 = arith.addi %mul3A_172, %add3A_173 : i32
      %lt3A_175 = arith.constant 53 : i32
      %lt3A_176 = arith.cmpi slt, %add3A_48, %lt3A_175 : i32
      %mul3A_177 = arith.constant 16 : i32
      %mul3A_178 = arith.muli %mul3A_177, %add3A_174 : i32
      %add3A_179 = arith.addi %arg1, %mul3A_178 : i32
      %lt3A_180 = arith.constant 2500 : i32
      %lt3A_181 = arith.cmpi slt, %add3A_179, %lt3A_180 : i32
      %and3A_182 = arith.andi %lt3A_176, %lt3A_181 : i1
      %convert_element_type3A_183 = arith.extui %and3A_182 : i1 to i32
      %cond3A_184 = arith.constant 0 : i32
      %cond3A_185 = arith.cmpi ne, %convert_element_type3A_183, %cond3A_184 : i32
      scf.if %cond3A_185 {
        %dma_wait3A = arith.constant 0 : i32
        %dma_wait3A_422 = arith.constant 0 : i32
        %dma_wait3A_423 = tpu.memref_slice %arg3[%dma_wait3A, %dma_wait3A_422] : memref<2x320000xi32, #tpu.memory_space<hbm>> -> memref<2x64xi32, #tpu.memory_space<hbm>>
        %dma_wait3A_424 = arith.constant 0 : i32
        %dma_wait3A_425 = arith.constant 0 : i32
        %dma_wait3A_426 = tpu.memref_slice %arg3[%dma_wait3A_424, %dma_wait3A_425] : memref<2x320000xi32, #tpu.memory_space<hbm>> -> memref<2x64xi32, #tpu.memory_space<hbm>>
        tpu.wait_dma2 semaphore(%arg24 : memref<!tpu.dma_semaphore, #tpu.memory_space<semaphore_mem>>) src(%dma_wait3A_426 : memref<2x64xi32, #tpu.memory_space<hbm>>) dst(%arg8 : memref<2x64xi32, #tpu.memory_space<vmem>>)
        %dma_start3A = arith.constant 0 : i32
        %dma_start3A_427 = arith.constant 0 : i32
        %dma_start3A_428 = tpu.memref_slice %arg8[%dma_start3A, %dma_start3A_427] : memref<2x64xi32, #tpu.memory_space<vmem>> -> memref<1x64xi32, #tpu.memory_space<vmem>>
        %dma_start3A_429 = tpu.memref_squeeze %dma_start3A_428 : memref<1x64xi32, #tpu.memory_space<vmem>> -> memref<64xi32, #tpu.memory_space<vmem>>
        %dma_start3A_430 = arith.constant 0 : i32
        %dma_start3A_431 = arith.constant 0 : i32
        %dma_start3A_432 = tpu.memref_slice %arg2[%dma_start3A_430, %dma_start3A_431] : memref<10000x128xf32, #tpu.memory_space<hbm>> -> memref<10000x128xf32, #tpu.memory_space<hbm>>
        tpu.enqueue_indirect_dma source(%dma_start3A_432 : memref<10000x128xf32, #tpu.memory_space<hbm>>) target(%arg14 : memref<64x128xf32, #tpu.memory_space<vmem>>) offsets(%dma_start3A_429 : memref<64xi32, #tpu.memory_space<vmem>>) semaphore(%arg30 : memref<!tpu.dma_semaphore, #tpu.memory_space<semaphore_mem>>)
      } else {
      }
      %mul3A_186 = arith.constant 3 : i32
      %mul3A_187 = arith.muli %mul3A_186, %add3A_48 : i32
      %add3A_188 = arith.constant 0 : i32
      %add3A_189 = arith.addi %mul3A_187, %add3A_188 : i32
      %lt3A_190 = arith.constant 53 : i32
      %lt3A_191 = arith.cmpi slt, %add3A_48, %lt3A_190 : i32
      %mul3A_192 = arith.constant 16 : i32
      %mul3A_193 = arith.muli %mul3A_192, %add3A_189 : i32
      %add3A_194 = arith.addi %arg1, %mul3A_193 : i32
      %lt3A_195 = arith.constant 2500 : i32
      %lt3A_196 = arith.cmpi slt, %add3A_194, %lt3A_195 : i32
      %and3A_197 = arith.andi %lt3A_191, %lt3A_196 : i1
      %convert_element_type3A_198 = arith.extui %and3A_197 : i1 to i32
      %cond3A_199 = arith.constant 0 : i32
      %cond3A_200 = arith.cmpi ne, %convert_element_type3A_198, %cond3A_199 : i32
      scf.if %cond3A_200 {
        %dma_wait3A = arith.constant 0 : i32
        %dma_wait3A_422 = arith.constant 0 : i32
        %dma_wait3A_423 = tpu.memref_slice %arg6[%dma_wait3A, %dma_wait3A_422] : memref<2x64xi32, #tpu.memory_space<vmem>> -> memref<1x64xi32, #tpu.memory_space<vmem>>
        %dma_wait3A_424 = tpu.memref_squeeze %dma_wait3A_423 : memref<1x64xi32, #tpu.memory_space<vmem>> -> memref<64xi32, #tpu.memory_space<vmem>>
        %dma_wait3A_425 = arith.constant 0 : i32
        %dma_wait3A_426 = arith.constant 0 : i32
        %dma_wait3A_427 = tpu.memref_slice %arg2[%dma_wait3A_425, %dma_wait3A_426] : memref<10000x128xf32, #tpu.memory_space<hbm>> -> memref<10000x128xf32, #tpu.memory_space<hbm>>
        tpu.wait_indirect_dma semaphore(%arg28 : memref<!tpu.dma_semaphore, #tpu.memory_space<semaphore_mem>>) src(%dma_wait3A_427 : memref<10000x128xf32, #tpu.memory_space<hbm>>) dst(%arg12 : memref<64x128xf32, #tpu.memory_space<vmem>>)
        %dma_start3A = arith.constant 1 : i32
        %dma_start3A_428 = arith.constant 0 : i32
        %dma_start3A_429 = tpu.memref_slice %arg6[%dma_start3A, %dma_start3A_428] : memref<2x64xi32, #tpu.memory_space<vmem>> -> memref<1x64xi32, #tpu.memory_space<vmem>>
        %dma_start3A_430 = tpu.memref_squeeze %dma_start3A_429 : memref<1x64xi32, #tpu.memory_space<vmem>> -> memref<64xi32, #tpu.memory_space<vmem>>
        %dma_start3A_431 = arith.constant 0 : i32
        %dma_start3A_432 = arith.constant 0 : i32
        %dma_start3A_433 = tpu.memref_slice %arg20[%dma_start3A_431, %dma_start3A_432] : memref<10000x128xf32, #tpu.memory_space<vmem_shared>> -> memref<10000x128xf32, #tpu.memory_space<vmem_shared>>
        tpu.enqueue_indirect_dma source(%arg12 : memref<64x128xf32, #tpu.memory_space<vmem>>) target(%dma_start3A_433 : memref<10000x128xf32, #tpu.memory_space<vmem_shared>>) offsets(%dma_start3A_430 : memref<64xi32, #tpu.memory_space<vmem>>) semaphore(%arg34 : memref<!tpu.dma_semaphore, #tpu.memory_space<semaphore_mem>>) {add = true}
        %dma_start3A_434 = arith.constant 1 : i32
        %dma_start3A_435 = arith.constant 0 : i32
        %dma_start3A_436 = tpu.memref_slice %arg6[%dma_start3A_434, %dma_start3A_435] : memref<2x64xi32, #tpu.memory_space<vmem>> -> memref<1x64xi32, #tpu.memory_space<vmem>>
        %dma_start3A_437 = tpu.memref_squeeze %dma_start3A_436 : memref<1x64xi32, #tpu.memory_space<vmem>> -> memref<64xi32, #tpu.memory_space<vmem>>
        %dma_start3A_438 = arith.constant 0 : i32
        %dma_start3A_439 = tpu.memref_slice %arg21[%dma_start3A_438] : memref<10000xf32, #tpu.memory_space<vmem_shared>> -> memref<10000xf32, #tpu.memory_space<vmem_shared>>
        tpu.enqueue_indirect_dma source(%arg18 : memref<64xf32, #tpu.memory_space<vmem>>) target(%dma_start3A_439 : memref<10000xf32, #tpu.memory_space<vmem_shared>>) offsets(%dma_start3A_437 : memref<64xi32, #tpu.memory_space<vmem>>) semaphore(%arg40 : memref<!tpu.dma_semaphore, #tpu.memory_space<semaphore_mem>>) {add = true}
      } else {
      }
      %mul3A_201 = arith.constant 3 : i32
      %mul3A_202 = arith.muli %mul3A_201, %add3A_48 : i32
      %add3A_203 = arith.constant 1 : i32
      %add3A_204 = arith.addi %mul3A_202, %add3A_203 : i32
      %lt3A_205 = arith.constant 53 : i32
      %lt3A_206 = arith.cmpi slt, %add3A_48, %lt3A_205 : i32
      %mul3A_207 = arith.constant 16 : i32
      %mul3A_208 = arith.muli %mul3A_207, %add3A_204 : i32
      %add3A_209 = arith.addi %arg1, %mul3A_208 : i32
      %lt3A_210 = arith.constant 2500 : i32
      %lt3A_211 = arith.cmpi slt, %add3A_209, %lt3A_210 : i32
      %and3A_212 = arith.andi %lt3A_206, %lt3A_211 : i1
      %convert_element_type3A_213 = arith.extui %and3A_212 : i1 to i32
      %cond3A_214 = arith.constant 0 : i32
      %cond3A_215 = arith.cmpi ne, %convert_element_type3A_213, %cond3A_214 : i32
      scf.if %cond3A_215 {
        %dma_wait3A = arith.constant 0 : i32
        %dma_wait3A_422 = arith.constant 0 : i32
        %dma_wait3A_423 = tpu.memref_slice %arg7[%dma_wait3A, %dma_wait3A_422] : memref<2x64xi32, #tpu.memory_space<vmem>> -> memref<1x64xi32, #tpu.memory_space<vmem>>
        %dma_wait3A_424 = tpu.memref_squeeze %dma_wait3A_423 : memref<1x64xi32, #tpu.memory_space<vmem>> -> memref<64xi32, #tpu.memory_space<vmem>>
        %dma_wait3A_425 = arith.constant 0 : i32
        %dma_wait3A_426 = arith.constant 0 : i32
        %dma_wait3A_427 = tpu.memref_slice %arg2[%dma_wait3A_425, %dma_wait3A_426] : memref<10000x128xf32, #tpu.memory_space<hbm>> -> memref<10000x128xf32, #tpu.memory_space<hbm>>
        tpu.wait_indirect_dma semaphore(%arg29 : memref<!tpu.dma_semaphore, #tpu.memory_space<semaphore_mem>>) src(%dma_wait3A_427 : memref<10000x128xf32, #tpu.memory_space<hbm>>) dst(%arg13 : memref<64x128xf32, #tpu.memory_space<vmem>>)
        %dma_start3A = arith.constant 1 : i32
        %dma_start3A_428 = arith.constant 0 : i32
        %dma_start3A_429 = tpu.memref_slice %arg7[%dma_start3A, %dma_start3A_428] : memref<2x64xi32, #tpu.memory_space<vmem>> -> memref<1x64xi32, #tpu.memory_space<vmem>>
        %dma_start3A_430 = tpu.memref_squeeze %dma_start3A_429 : memref<1x64xi32, #tpu.memory_space<vmem>> -> memref<64xi32, #tpu.memory_space<vmem>>
        %dma_start3A_431 = arith.constant 0 : i32
        %dma_start3A_432 = arith.constant 0 : i32
        %dma_start3A_433 = tpu.memref_slice %arg20[%dma_start3A_431, %dma_start3A_432] : memref<10000x128xf32, #tpu.memory_space<vmem_shared>> -> memref<10000x128xf32, #tpu.memory_space<vmem_shared>>
        tpu.enqueue_indirect_dma source(%arg13 : memref<64x128xf32, #tpu.memory_space<vmem>>) target(%dma_start3A_433 : memref<10000x128xf32, #tpu.memory_space<vmem_shared>>) offsets(%dma_start3A_430 : memref<64xi32, #tpu.memory_space<vmem>>) semaphore(%arg35 : memref<!tpu.dma_semaphore, #tpu.memory_space<semaphore_mem>>) {add = true}
        %dma_start3A_434 = arith.constant 1 : i32
        %dma_start3A_435 = arith.constant 0 : i32
        %dma_start3A_436 = tpu.memref_slice %arg7[%dma_start3A_434, %dma_start3A_435] : memref<2x64xi32, #tpu.memory_space<vmem>> -> memref<1x64xi32, #tpu.memory_space<vmem>>
        %dma_start3A_437 = tpu.memref_squeeze %dma_start3A_436 : memref<1x64xi32, #tpu.memory_space<vmem>> -> memref<64xi32, #tpu.memory_space<vmem>>
        %dma_start3A_438 = arith.constant 0 : i32
        %dma_start3A_439 = tpu.memref_slice %arg21[%dma_start3A_438] : memref<10000xf32, #tpu.memory_space<vmem_shared>> -> memref<10000xf32, #tpu.memory_space<vmem_shared>>
        tpu.enqueue_indirect_dma source(%arg18 : memref<64xf32, #tpu.memory_space<vmem>>) target(%dma_start3A_439 : memref<10000xf32, #tpu.memory_space<vmem_shared>>) offsets(%dma_start3A_437 : memref<64xi32, #tpu.memory_space<vmem>>) semaphore(%arg41 : memref<!tpu.dma_semaphore, #tpu.memory_space<semaphore_mem>>) {add = true}
      } else {
      }
      %mul3A_216 = arith.constant 3 : i32
      %mul3A_217 = arith.muli %mul3A_216, %add3A_48 : i32
      %add3A_218 = arith.constant 2 : i32
      %add3A_219 = arith.addi %mul3A_217, %add3A_218 : i32
      %lt3A_220 = arith.constant 53 : i32
      %lt3A_221 = arith.cmpi slt, %add3A_48, %lt3A_220 : i32
      %mul3A_222 = arith.constant 16 : i32
      %mul3A_223 = arith.muli %mul3A_222, %add3A_219 : i32
      %add3A_224 = arith.addi %arg1, %mul3A_223 : i32
      %lt3A_225 = arith.constant 2500 : i32
      %lt3A_226 = arith.cmpi slt, %add3A_224, %lt3A_225 : i32
      %and3A_227 = arith.andi %lt3A_221, %lt3A_226 : i1
      %convert_element_type3A_228 = arith.extui %and3A_227 : i1 to i32
      %cond3A_229 = arith.constant 0 : i32
      %cond3A_230 = arith.cmpi ne, %convert_element_type3A_228, %cond3A_229 : i32
      scf.if %cond3A_230 {
        %dma_wait3A = arith.constant 0 : i32
        %dma_wait3A_422 = arith.constant 0 : i32
        %dma_wait3A_423 = tpu.memref_slice %arg8[%dma_wait3A, %dma_wait3A_422] : memref<2x64xi32, #tpu.memory_space<vmem>> -> memref<1x64xi32, #tpu.memory_space<vmem>>
        %dma_wait3A_424 = tpu.memref_squeeze %dma_wait3A_423 : memref<1x64xi32, #tpu.memory_space<vmem>> -> memref<64xi32, #tpu.memory_space<vmem>>
        %dma_wait3A_425 = arith.constant 0 : i32
        %dma_wait3A_426 = arith.constant 0 : i32
        %dma_wait3A_427 = tpu.memref_slice %arg2[%dma_wait3A_425, %dma_wait3A_426] : memref<10000x128xf32, #tpu.memory_space<hbm>> -> memref<10000x128xf32, #tpu.memory_space<hbm>>
        tpu.wait_indirect_dma semaphore(%arg30 : memref<!tpu.dma_semaphore, #tpu.memory_space<semaphore_mem>>) src(%dma_wait3A_427 : memref<10000x128xf32, #tpu.memory_space<hbm>>) dst(%arg14 : memref<64x128xf32, #tpu.memory_space<vmem>>)
        %dma_start3A = arith.constant 1 : i32
        %dma_start3A_428 = arith.constant 0 : i32
        %dma_start3A_429 = tpu.memref_slice %arg8[%dma_start3A, %dma_start3A_428] : memref<2x64xi32, #tpu.memory_space<vmem>> -> memref<1x64xi32, #tpu.memory_space<vmem>>
        %dma_start3A_430 = tpu.memref_squeeze %dma_start3A_429 : memref<1x64xi32, #tpu.memory_space<vmem>> -> memref<64xi32, #tpu.memory_space<vmem>>
        %dma_start3A_431 = arith.constant 0 : i32
        %dma_start3A_432 = arith.constant 0 : i32
        %dma_start3A_433 = tpu.memref_slice %arg20[%dma_start3A_431, %dma_start3A_432] : memref<10000x128xf32, #tpu.memory_space<vmem_shared>> -> memref<10000x128xf32, #tpu.memory_space<vmem_shared>>
        tpu.enqueue_indirect_dma source(%arg14 : memref<64x128xf32, #tpu.memory_space<vmem>>) target(%dma_start3A_433 : memref<10000x128xf32, #tpu.memory_space<vmem_shared>>) offsets(%dma_start3A_430 : memref<64xi32, #tpu.memory_space<vmem>>) semaphore(%arg36 : memref<!tpu.dma_semaphore, #tpu.memory_space<semaphore_mem>>) {add = true}
        %dma_start3A_434 = arith.constant 1 : i32
        %dma_start3A_435 = arith.constant 0 : i32
        %dma_start3A_436 = tpu.memref_slice %arg8[%dma_start3A_434, %dma_start3A_435] : memref<2x64xi32, #tpu.memory_space<vmem>> -> memref<1x64xi32, #tpu.memory_space<vmem>>
        %dma_start3A_437 = tpu.memref_squeeze %dma_start3A_436 : memref<1x64xi32, #tpu.memory_space<vmem>> -> memref<64xi32, #tpu.memory_space<vmem>>
        %dma_start3A_438 = arith.constant 0 : i32
        %dma_start3A_439 = tpu.memref_slice %arg21[%dma_start3A_438] : memref<10000xf32, #tpu.memory_space<vmem_shared>> -> memref<10000xf32, #tpu.memory_space<vmem_shared>>
        tpu.enqueue_indirect_dma source(%arg18 : memref<64xf32, #tpu.memory_space<vmem>>) target(%dma_start3A_439 : memref<10000xf32, #tpu.memory_space<vmem_shared>>) offsets(%dma_start3A_437 : memref<64xi32, #tpu.memory_space<vmem>>) semaphore(%arg42 : memref<!tpu.dma_semaphore, #tpu.memory_space<semaphore_mem>>) {add = true}
      } else {
      }
      %mul3A_231 = arith.constant 2 : i32
      %mul3A_232 = arith.muli %mul3A_231, %scan3A_45 : i32
      %add3A_233 = arith.constant 1 : i32
      %add3A_234 = arith.addi %mul3A_232, %add3A_233 : i32
      %ge3A_235 = arith.constant 2 : i32
      %ge3A_236 = arith.cmpi sge, %add3A_234, %ge3A_235 : i32
      %sub3A_237 = arith.constant 2 : i32
      %sub3A_238 = arith.subi %add3A_234, %sub3A_237 : i32
      %mul3A_239 = arith.constant 3 : i32
      %mul3A_240 = arith.muli %mul3A_239, %sub3A_238 : i32
      %add3A_241 = arith.constant 0 : i32
      %add3A_242 = arith.addi %mul3A_240, %add3A_241 : i32
      %mul3A_243 = arith.constant 16 : i32
      %mul3A_244 = arith.muli %mul3A_243, %add3A_242 : i32
      %add3A_245 = arith.addi %arg1, %mul3A_244 : i32
      %lt3A_246 = arith.constant 2500 : i32
      %lt3A_247 = arith.cmpi slt, %add3A_245, %lt3A_246 : i32
      %and3A_248 = arith.andi %ge3A_236, %lt3A_247 : i1
      %convert_element_type3A_249 = arith.extui %and3A_248 : i1 to i32
      %cond3A_250 = arith.constant 0 : i32
      %cond3A_251 = arith.cmpi ne, %convert_element_type3A_249, %cond3A_250 : i32
      scf.if %cond3A_251 {
        %dma_wait3A = arith.constant 1 : i32
        %dma_wait3A_422 = arith.constant 0 : i32
        %dma_wait3A_423 = tpu.memref_slice %arg9[%dma_wait3A, %dma_wait3A_422] : memref<2x64xi32, #tpu.memory_space<vmem>> -> memref<1x64xi32, #tpu.memory_space<vmem>>
        %dma_wait3A_424 = tpu.memref_squeeze %dma_wait3A_423 : memref<1x64xi32, #tpu.memory_space<vmem>> -> memref<64xi32, #tpu.memory_space<vmem>>
        %dma_wait3A_425 = arith.constant 0 : i32
        %dma_wait3A_426 = arith.constant 0 : i32
        %dma_wait3A_427 = tpu.memref_slice %arg20[%dma_wait3A_425, %dma_wait3A_426] : memref<10000x128xf32, #tpu.memory_space<vmem_shared>> -> memref<10000x128xf32, #tpu.memory_space<vmem_shared>>
        tpu.wait_indirect_dma semaphore(%arg37 : memref<!tpu.dma_semaphore, #tpu.memory_space<semaphore_mem>>) src(%arg15 : memref<64x128xf32, #tpu.memory_space<vmem>>) dst(%dma_wait3A_427 : memref<10000x128xf32, #tpu.memory_space<vmem_shared>>)
        %dma_wait3A_428 = arith.constant 1 : i32
        %dma_wait3A_429 = arith.constant 0 : i32
        %dma_wait3A_430 = tpu.memref_slice %arg9[%dma_wait3A_428, %dma_wait3A_429] : memref<2x64xi32, #tpu.memory_space<vmem>> -> memref<1x64xi32, #tpu.memory_space<vmem>>
        %dma_wait3A_431 = tpu.memref_squeeze %dma_wait3A_430 : memref<1x64xi32, #tpu.memory_space<vmem>> -> memref<64xi32, #tpu.memory_space<vmem>>
        %dma_wait3A_432 = arith.constant 0 : i32
        %dma_wait3A_433 = tpu.memref_slice %arg21[%dma_wait3A_432] : memref<10000xf32, #tpu.memory_space<vmem_shared>> -> memref<10000xf32, #tpu.memory_space<vmem_shared>>
        tpu.wait_indirect_dma semaphore(%arg43 : memref<!tpu.dma_semaphore, #tpu.memory_space<semaphore_mem>>) src(%arg18 : memref<64xf32, #tpu.memory_space<vmem>>) dst(%dma_wait3A_433 : memref<10000xf32, #tpu.memory_space<vmem_shared>>)
      } else {
      }
      %ge3A_252 = arith.constant 2 : i32
      %ge3A_253 = arith.cmpi sge, %add3A_234, %ge3A_252 : i32
      %sub3A_254 = arith.constant 2 : i32
      %sub3A_255 = arith.subi %add3A_234, %sub3A_254 : i32
      %mul3A_256 = arith.constant 3 : i32
      %mul3A_257 = arith.muli %mul3A_256, %sub3A_255 : i32
      %add3A_258 = arith.constant 1 : i32
      %add3A_259 = arith.addi %mul3A_257, %add3A_258 : i32
      %mul3A_260 = arith.constant 16 : i32
      %mul3A_261 = arith.muli %mul3A_260, %add3A_259 : i32
      %add3A_262 = arith.addi %arg1, %mul3A_261 : i32
      %lt3A_263 = arith.constant 2500 : i32
      %lt3A_264 = arith.cmpi slt, %add3A_262, %lt3A_263 : i32
      %and3A_265 = arith.andi %ge3A_253, %lt3A_264 : i1
      %convert_element_type3A_266 = arith.extui %and3A_265 : i1 to i32
      %cond3A_267 = arith.constant 0 : i32
      %cond3A_268 = arith.cmpi ne, %convert_element_type3A_266, %cond3A_267 : i32
      scf.if %cond3A_268 {
        %dma_wait3A = arith.constant 1 : i32
        %dma_wait3A_422 = arith.constant 0 : i32
        %dma_wait3A_423 = tpu.memref_slice %arg10[%dma_wait3A, %dma_wait3A_422] : memref<2x64xi32, #tpu.memory_space<vmem>> -> memref<1x64xi32, #tpu.memory_space<vmem>>
        %dma_wait3A_424 = tpu.memref_squeeze %dma_wait3A_423 : memref<1x64xi32, #tpu.memory_space<vmem>> -> memref<64xi32, #tpu.memory_space<vmem>>
        %dma_wait3A_425 = arith.constant 0 : i32
        %dma_wait3A_426 = arith.constant 0 : i32
        %dma_wait3A_427 = tpu.memref_slice %arg20[%dma_wait3A_425, %dma_wait3A_426] : memref<10000x128xf32, #tpu.memory_space<vmem_shared>> -> memref<10000x128xf32, #tpu.memory_space<vmem_shared>>
        tpu.wait_indirect_dma semaphore(%arg38 : memref<!tpu.dma_semaphore, #tpu.memory_space<semaphore_mem>>) src(%arg16 : memref<64x128xf32, #tpu.memory_space<vmem>>) dst(%dma_wait3A_427 : memref<10000x128xf32, #tpu.memory_space<vmem_shared>>)
        %dma_wait3A_428 = arith.constant 1 : i32
        %dma_wait3A_429 = arith.constant 0 : i32
        %dma_wait3A_430 = tpu.memref_slice %arg10[%dma_wait3A_428, %dma_wait3A_429] : memref<2x64xi32, #tpu.memory_space<vmem>> -> memref<1x64xi32, #tpu.memory_space<vmem>>
        %dma_wait3A_431 = tpu.memref_squeeze %dma_wait3A_430 : memref<1x64xi32, #tpu.memory_space<vmem>> -> memref<64xi32, #tpu.memory_space<vmem>>
        %dma_wait3A_432 = arith.constant 0 : i32
        %dma_wait3A_433 = tpu.memref_slice %arg21[%dma_wait3A_432] : memref<10000xf32, #tpu.memory_space<vmem_shared>> -> memref<10000xf32, #tpu.memory_space<vmem_shared>>
        tpu.wait_indirect_dma semaphore(%arg44 : memref<!tpu.dma_semaphore, #tpu.memory_space<semaphore_mem>>) src(%arg18 : memref<64xf32, #tpu.memory_space<vmem>>) dst(%dma_wait3A_433 : memref<10000xf32, #tpu.memory_space<vmem_shared>>)
      } else {
      }
      %ge3A_269 = arith.constant 2 : i32
      %ge3A_270 = arith.cmpi sge, %add3A_234, %ge3A_269 : i32
      %sub3A_271 = arith.constant 2 : i32
      %sub3A_272 = arith.subi %add3A_234, %sub3A_271 : i32
      %mul3A_273 = arith.constant 3 : i32
      %mul3A_274 = arith.muli %mul3A_273, %sub3A_272 : i32
      %add3A_275 = arith.constant 2 : i32
      %add3A_276 = arith.addi %mul3A_274, %add3A_275 : i32
      %mul3A_277 = arith.constant 16 : i32
      %mul3A_278 = arith.muli %mul3A_277, %add3A_276 : i32
      %add3A_279 = arith.addi %arg1, %mul3A_278 : i32
      %lt3A_280 = arith.constant 2500 : i32
      %lt3A_281 = arith.cmpi slt, %add3A_279, %lt3A_280 : i32
      %and3A_282 = arith.andi %ge3A_270, %lt3A_281 : i1
      %convert_element_type3A_283 = arith.extui %and3A_282 : i1 to i32
      %cond3A_284 = arith.constant 0 : i32
      %cond3A_285 = arith.cmpi ne, %convert_element_type3A_283, %cond3A_284 : i32
      scf.if %cond3A_285 {
        %dma_wait3A = arith.constant 1 : i32
        %dma_wait3A_422 = arith.constant 0 : i32
        %dma_wait3A_423 = tpu.memref_slice %arg11[%dma_wait3A, %dma_wait3A_422] : memref<2x64xi32, #tpu.memory_space<vmem>> -> memref<1x64xi32, #tpu.memory_space<vmem>>
        %dma_wait3A_424 = tpu.memref_squeeze %dma_wait3A_423 : memref<1x64xi32, #tpu.memory_space<vmem>> -> memref<64xi32, #tpu.memory_space<vmem>>
        %dma_wait3A_425 = arith.constant 0 : i32
        %dma_wait3A_426 = arith.constant 0 : i32
        %dma_wait3A_427 = tpu.memref_slice %arg20[%dma_wait3A_425, %dma_wait3A_426] : memref<10000x128xf32, #tpu.memory_space<vmem_shared>> -> memref<10000x128xf32, #tpu.memory_space<vmem_shared>>
        tpu.wait_indirect_dma semaphore(%arg39 : memref<!tpu.dma_semaphore, #tpu.memory_space<semaphore_mem>>) src(%arg17 : memref<64x128xf32, #tpu.memory_space<vmem>>) dst(%dma_wait3A_427 : memref<10000x128xf32, #tpu.memory_space<vmem_shared>>)
        %dma_wait3A_428 = arith.constant 1 : i32
        %dma_wait3A_429 = arith.constant 0 : i32
        %dma_wait3A_430 = tpu.memref_slice %arg11[%dma_wait3A_428, %dma_wait3A_429] : memref<2x64xi32, #tpu.memory_space<vmem>> -> memref<1x64xi32, #tpu.memory_space<vmem>>
        %dma_wait3A_431 = tpu.memref_squeeze %dma_wait3A_430 : memref<1x64xi32, #tpu.memory_space<vmem>> -> memref<64xi32, #tpu.memory_space<vmem>>
        %dma_wait3A_432 = arith.constant 0 : i32
        %dma_wait3A_433 = tpu.memref_slice %arg21[%dma_wait3A_432] : memref<10000xf32, #tpu.memory_space<vmem_shared>> -> memref<10000xf32, #tpu.memory_space<vmem_shared>>
        tpu.wait_indirect_dma semaphore(%arg45 : memref<!tpu.dma_semaphore, #tpu.memory_space<semaphore_mem>>) src(%arg18 : memref<64xf32, #tpu.memory_space<vmem>>) dst(%dma_wait3A_433 : memref<10000xf32, #tpu.memory_space<vmem_shared>>)
      } else {
      }
      %mul3A_286 = arith.constant 3 : i32
      %mul3A_287 = arith.muli %mul3A_286, %add3A_234 : i32
      %add3A_288 = arith.constant 0 : i32
      %add3A_289 = arith.addi %mul3A_287, %add3A_288 : i32
      %lt3A_290 = arith.constant 53 : i32
      %lt3A_291 = arith.cmpi slt, %add3A_234, %lt3A_290 : i32
      %mul3A_292 = arith.constant 16 : i32
      %mul3A_293 = arith.muli %mul3A_292, %add3A_289 : i32
      %add3A_294 = arith.addi %arg1, %mul3A_293 : i32
      %lt3A_295 = arith.constant 2500 : i32
      %lt3A_296 = arith.cmpi slt, %add3A_294, %lt3A_295 : i32
      %and3A_297 = arith.andi %lt3A_291, %lt3A_296 : i1
      %convert_element_type3A_298 = arith.extui %and3A_297 : i1 to i32
      %cond3A_299 = arith.constant 0 : i32
      %cond3A_300 = arith.cmpi ne, %convert_element_type3A_298, %cond3A_299 : i32
      scf.if %cond3A_300 {
        %mul3A_422 = arith.constant 2500 : i32
        %mul3A_423 = arith.muli %arg0, %mul3A_422 : i32
        %add3A_424 = arith.addi %mul3A_423, %arg1 : i32
        %mul3A_425 = arith.constant 16 : i32
        %mul3A_426 = arith.muli %mul3A_425, %add3A_289 : i32
        %add3A_427 = arith.addi %add3A_424, %mul3A_426 : i32
        %mul3A_428 = arith.constant 64 : i32
        %mul3A_429 = arith.muli %add3A_427, %mul3A_428 : i32
        %dma_start3A = arith.constant 0 : i32
        %dma_start3A_430 = tpu.memref_slice %arg3[%dma_start3A, %mul3A_429] : memref<2x320000xi32, #tpu.memory_space<hbm>> -> memref<2x64xi32, #tpu.memory_space<hbm>>
        %dma_start3A_431 = arith.constant 0 : i32
        %dma_start3A_432 = tpu.memref_slice %arg3[%dma_start3A_431, %mul3A_429] : memref<2x320000xi32, #tpu.memory_space<hbm>> -> memref<2x64xi32, #tpu.memory_space<hbm>>
        tpu.enqueue_dma source(%dma_start3A_432 : memref<2x64xi32, #tpu.memory_space<hbm>>) target(%arg9 : memref<2x64xi32, #tpu.memory_space<vmem>>) target_semaphore(%arg25 : memref<!tpu.dma_semaphore, #tpu.memory_space<semaphore_mem>>)
      } else {
      }
      %mul3A_301 = arith.constant 3 : i32
      %mul3A_302 = arith.muli %mul3A_301, %add3A_234 : i32
      %add3A_303 = arith.constant 1 : i32
      %add3A_304 = arith.addi %mul3A_302, %add3A_303 : i32
      %lt3A_305 = arith.constant 53 : i32
      %lt3A_306 = arith.cmpi slt, %add3A_234, %lt3A_305 : i32
      %mul3A_307 = arith.constant 16 : i32
      %mul3A_308 = arith.muli %mul3A_307, %add3A_304 : i32
      %add3A_309 = arith.addi %arg1, %mul3A_308 : i32
      %lt3A_310 = arith.constant 2500 : i32
      %lt3A_311 = arith.cmpi slt, %add3A_309, %lt3A_310 : i32
      %and3A_312 = arith.andi %lt3A_306, %lt3A_311 : i1
      %convert_element_type3A_313 = arith.extui %and3A_312 : i1 to i32
      %cond3A_314 = arith.constant 0 : i32
      %cond3A_315 = arith.cmpi ne, %convert_element_type3A_313, %cond3A_314 : i32
      scf.if %cond3A_315 {
        %mul3A_422 = arith.constant 2500 : i32
        %mul3A_423 = arith.muli %arg0, %mul3A_422 : i32
        %add3A_424 = arith.addi %mul3A_423, %arg1 : i32
        %mul3A_425 = arith.constant 16 : i32
        %mul3A_426 = arith.muli %mul3A_425, %add3A_304 : i32
        %add3A_427 = arith.addi %add3A_424, %mul3A_426 : i32
        %mul3A_428 = arith.constant 64 : i32
        %mul3A_429 = arith.muli %add3A_427, %mul3A_428 : i32
        %dma_start3A = arith.constant 0 : i32
        %dma_start3A_430 = tpu.memref_slice %arg3[%dma_start3A, %mul3A_429] : memref<2x320000xi32, #tpu.memory_space<hbm>> -> memref<2x64xi32, #tpu.memory_space<hbm>>
        %dma_start3A_431 = arith.constant 0 : i32
        %dma_start3A_432 = tpu.memref_slice %arg3[%dma_start3A_431, %mul3A_429] : memref<2x320000xi32, #tpu.memory_space<hbm>> -> memref<2x64xi32, #tpu.memory_space<hbm>>
        tpu.enqueue_dma source(%dma_start3A_432 : memref<2x64xi32, #tpu.memory_space<hbm>>) target(%arg10 : memref<2x64xi32, #tpu.memory_space<vmem>>) target_semaphore(%arg26 : memref<!tpu.dma_semaphore, #tpu.memory_space<semaphore_mem>>)
      } else {
      }
      %mul3A_316 = arith.constant 3 : i32
      %mul3A_317 = arith.muli %mul3A_316, %add3A_234 : i32
      %add3A_318 = arith.constant 2 : i32
      %add3A_319 = arith.addi %mul3A_317, %add3A_318 : i32
      %lt3A_320 = arith.constant 53 : i32
      %lt3A_321 = arith.cmpi slt, %add3A_234, %lt3A_320 : i32
      %mul3A_322 = arith.constant 16 : i32
      %mul3A_323 = arith.muli %mul3A_322, %add3A_319 : i32
      %add3A_324 = arith.addi %arg1, %mul3A_323 : i32
      %lt3A_325 = arith.constant 2500 : i32
      %lt3A_326 = arith.cmpi slt, %add3A_324, %lt3A_325 : i32
      %and3A_327 = arith.andi %lt3A_321, %lt3A_326 : i1
      %convert_element_type3A_328 = arith.extui %and3A_327 : i1 to i32
      %cond3A_329 = arith.constant 0 : i32
      %cond3A_330 = arith.cmpi ne, %convert_element_type3A_328, %cond3A_329 : i32
      scf.if %cond3A_330 {
        %mul3A_422 = arith.constant 2500 : i32
        %mul3A_423 = arith.muli %arg0, %mul3A_422 : i32
        %add3A_424 = arith.addi %mul3A_423, %arg1 : i32
        %mul3A_425 = arith.constant 16 : i32
        %mul3A_426 = arith.muli %mul3A_425, %add3A_319 : i32
        %add3A_427 = arith.addi %add3A_424, %mul3A_426 : i32
        %mul3A_428 = arith.constant 64 : i32
        %mul3A_429 = arith.muli %add3A_427, %mul3A_428 : i32
        %dma_start3A = arith.constant 0 : i32
        %dma_start3A_430 = tpu.memref_slice %arg3[%dma_start3A, %mul3A_429] : memref<2x320000xi32, #tpu.memory_space<hbm>> -> memref<2x64xi32, #tpu.memory_space<hbm>>
        %dma_start3A_431 = arith.constant 0 : i32
        %dma_start3A_432 = tpu.memref_slice %arg3[%dma_start3A_431, %mul3A_429] : memref<2x320000xi32, #tpu.memory_space<hbm>> -> memref<2x64xi32, #tpu.memory_space<hbm>>
        tpu.enqueue_dma source(%dma_start3A_432 : memref<2x64xi32, #tpu.memory_space<hbm>>) target(%arg11 : memref<2x64xi32, #tpu.memory_space<vmem>>) target_semaphore(%arg27 : memref<!tpu.dma_semaphore, #tpu.memory_space<semaphore_mem>>)
      } else {
      }
      %mul3A_331 = arith.constant 3 : i32
      %mul3A_332 = arith.muli %mul3A_331, %add3A_234 : i32
      %add3A_333 = arith.constant 0 : i32
      %add3A_334 = arith.addi %mul3A_332, %add3A_333 : i32
      %lt3A_335 = arith.constant 53 : i32
      %lt3A_336 = arith.cmpi slt, %add3A_234, %lt3A_335 : i32
      %mul3A_337 = arith.constant 16 : i32
      %mul3A_338 = arith.muli %mul3A_337, %add3A_334 : i32
      %add3A_339 = arith.addi %arg1, %mul3A_338 : i32
      %lt3A_340 = arith.constant 2500 : i32
      %lt3A_341 = arith.cmpi slt, %add3A_339, %lt3A_340 : i32
      %and3A_342 = arith.andi %lt3A_336, %lt3A_341 : i1
      %convert_element_type3A_343 = arith.extui %and3A_342 : i1 to i32
      %cond3A_344 = arith.constant 0 : i32
      %cond3A_345 = arith.cmpi ne, %convert_element_type3A_343, %cond3A_344 : i32
      scf.if %cond3A_345 {
        %dma_wait3A = arith.constant 0 : i32
        %dma_wait3A_422 = arith.constant 0 : i32
        %dma_wait3A_423 = tpu.memref_slice %arg3[%dma_wait3A, %dma_wait3A_422] : memref<2x320000xi32, #tpu.memory_space<hbm>> -> memref<2x64xi32, #tpu.memory_space<hbm>>
        %dma_wait3A_424 = arith.constant 0 : i32
        %dma_wait3A_425 = arith.constant 0 : i32
        %dma_wait3A_426 = tpu.memref_slice %arg3[%dma_wait3A_424, %dma_wait3A_425] : memref<2x320000xi32, #tpu.memory_space<hbm>> -> memref<2x64xi32, #tpu.memory_space<hbm>>
        tpu.wait_dma2 semaphore(%arg25 : memref<!tpu.dma_semaphore, #tpu.memory_space<semaphore_mem>>) src(%dma_wait3A_426 : memref<2x64xi32, #tpu.memory_space<hbm>>) dst(%arg9 : memref<2x64xi32, #tpu.memory_space<vmem>>)
        %dma_start3A = arith.constant 0 : i32
        %dma_start3A_427 = arith.constant 0 : i32
        %dma_start3A_428 = tpu.memref_slice %arg9[%dma_start3A, %dma_start3A_427] : memref<2x64xi32, #tpu.memory_space<vmem>> -> memref<1x64xi32, #tpu.memory_space<vmem>>
        %dma_start3A_429 = tpu.memref_squeeze %dma_start3A_428 : memref<1x64xi32, #tpu.memory_space<vmem>> -> memref<64xi32, #tpu.memory_space<vmem>>
        %dma_start3A_430 = arith.constant 0 : i32
        %dma_start3A_431 = arith.constant 0 : i32
        %dma_start3A_432 = tpu.memref_slice %arg2[%dma_start3A_430, %dma_start3A_431] : memref<10000x128xf32, #tpu.memory_space<hbm>> -> memref<10000x128xf32, #tpu.memory_space<hbm>>
        tpu.enqueue_indirect_dma source(%dma_start3A_432 : memref<10000x128xf32, #tpu.memory_space<hbm>>) target(%arg15 : memref<64x128xf32, #tpu.memory_space<vmem>>) offsets(%dma_start3A_429 : memref<64xi32, #tpu.memory_space<vmem>>) semaphore(%arg31 : memref<!tpu.dma_semaphore, #tpu.memory_space<semaphore_mem>>)
      } else {
      }
      %mul3A_346 = arith.constant 3 : i32
      %mul3A_347 = arith.muli %mul3A_346, %add3A_234 : i32
      %add3A_348 = arith.constant 1 : i32
      %add3A_349 = arith.addi %mul3A_347, %add3A_348 : i32
      %lt3A_350 = arith.constant 53 : i32
      %lt3A_351 = arith.cmpi slt, %add3A_234, %lt3A_350 : i32
      %mul3A_352 = arith.constant 16 : i32
      %mul3A_353 = arith.muli %mul3A_352, %add3A_349 : i32
      %add3A_354 = arith.addi %arg1, %mul3A_353 : i32
      %lt3A_355 = arith.constant 2500 : i32
      %lt3A_356 = arith.cmpi slt, %add3A_354, %lt3A_355 : i32
      %and3A_357 = arith.andi %lt3A_351, %lt3A_356 : i1
      %convert_element_type3A_358 = arith.extui %and3A_357 : i1 to i32
      %cond3A_359 = arith.constant 0 : i32
      %cond3A_360 = arith.cmpi ne, %convert_element_type3A_358, %cond3A_359 : i32
      scf.if %cond3A_360 {
        %dma_wait3A = arith.constant 0 : i32
        %dma_wait3A_422 = arith.constant 0 : i32
        %dma_wait3A_423 = tpu.memref_slice %arg3[%dma_wait3A, %dma_wait3A_422] : memref<2x320000xi32, #tpu.memory_space<hbm>> -> memref<2x64xi32, #tpu.memory_space<hbm>>
        %dma_wait3A_424 = arith.constant 0 : i32
        %dma_wait3A_425 = arith.constant 0 : i32
        %dma_wait3A_426 = tpu.memref_slice %arg3[%dma_wait3A_424, %dma_wait3A_425] : memref<2x320000xi32, #tpu.memory_space<hbm>> -> memref<2x64xi32, #tpu.memory_space<hbm>>
        tpu.wait_dma2 semaphore(%arg26 : memref<!tpu.dma_semaphore, #tpu.memory_space<semaphore_mem>>) src(%dma_wait3A_426 : memref<2x64xi32, #tpu.memory_space<hbm>>) dst(%arg10 : memref<2x64xi32, #tpu.memory_space<vmem>>)
        %dma_start3A = arith.constant 0 : i32
        %dma_start3A_427 = arith.constant 0 : i32
        %dma_start3A_428 = tpu.memref_slice %arg10[%dma_start3A, %dma_start3A_427] : memref<2x64xi32, #tpu.memory_space<vmem>> -> memref<1x64xi32, #tpu.memory_space<vmem>>
        %dma_start3A_429 = tpu.memref_squeeze %dma_start3A_428 : memref<1x64xi32, #tpu.memory_space<vmem>> -> memref<64xi32, #tpu.memory_space<vmem>>
        %dma_start3A_430 = arith.constant 0 : i32
        %dma_start3A_431 = arith.constant 0 : i32
        %dma_start3A_432 = tpu.memref_slice %arg2[%dma_start3A_430, %dma_start3A_431] : memref<10000x128xf32, #tpu.memory_space<hbm>> -> memref<10000x128xf32, #tpu.memory_space<hbm>>
        tpu.enqueue_indirect_dma source(%dma_start3A_432 : memref<10000x128xf32, #tpu.memory_space<hbm>>) target(%arg16 : memref<64x128xf32, #tpu.memory_space<vmem>>) offsets(%dma_start3A_429 : memref<64xi32, #tpu.memory_space<vmem>>) semaphore(%arg32 : memref<!tpu.dma_semaphore, #tpu.memory_space<semaphore_mem>>)
      } else {
      }
      %mul3A_361 = arith.constant 3 : i32
      %mul3A_362 = arith.muli %mul3A_361, %add3A_234 : i32
      %add3A_363 = arith.constant 2 : i32
      %add3A_364 = arith.addi %mul3A_362, %add3A_363 : i32
      %lt3A_365 = arith.constant 53 : i32
      %lt3A_366 = arith.cmpi slt, %add3A_234, %lt3A_365 : i32
      %mul3A_367 = arith.constant 16 : i32
      %mul3A_368 = arith.muli %mul3A_367, %add3A_364 : i32
      %add3A_369 = arith.addi %arg1, %mul3A_368 : i32
      %lt3A_370 = arith.constant 2500 : i32
      %lt3A_371 = arith.cmpi slt, %add3A_369, %lt3A_370 : i32
      %and3A_372 = arith.andi %lt3A_366, %lt3A_371 : i1
      %convert_element_type3A_373 = arith.extui %and3A_372 : i1 to i32
      %cond3A_374 = arith.constant 0 : i32
      %cond3A_375 = arith.cmpi ne, %convert_element_type3A_373, %cond3A_374 : i32
      scf.if %cond3A_375 {
        %dma_wait3A = arith.constant 0 : i32
        %dma_wait3A_422 = arith.constant 0 : i32
        %dma_wait3A_423 = tpu.memref_slice %arg3[%dma_wait3A, %dma_wait3A_422] : memref<2x320000xi32, #tpu.memory_space<hbm>> -> memref<2x64xi32, #tpu.memory_space<hbm>>
        %dma_wait3A_424 = arith.constant 0 : i32
        %dma_wait3A_425 = arith.constant 0 : i32
        %dma_wait3A_426 = tpu.memref_slice %arg3[%dma_wait3A_424, %dma_wait3A_425] : memref<2x320000xi32, #tpu.memory_space<hbm>> -> memref<2x64xi32, #tpu.memory_space<hbm>>
        tpu.wait_dma2 semaphore(%arg27 : memref<!tpu.dma_semaphore, #tpu.memory_space<semaphore_mem>>) src(%dma_wait3A_426 : memref<2x64xi32, #tpu.memory_space<hbm>>) dst(%arg11 : memref<2x64xi32, #tpu.memory_space<vmem>>)
        %dma_start3A = arith.constant 0 : i32
        %dma_start3A_427 = arith.constant 0 : i32
        %dma_start3A_428 = tpu.memref_slice %arg11[%dma_start3A, %dma_start3A_427] : memref<2x64xi32, #tpu.memory_space<vmem>> -> memref<1x64xi32, #tpu.memory_space<vmem>>
        %dma_start3A_429 = tpu.memref_squeeze %dma_start3A_428 : memref<1x64xi32, #tpu.memory_space<vmem>> -> memref<64xi32, #tpu.memory_space<vmem>>
        %dma_start3A_430 = arith.constant 0 : i32
        %dma_start3A_431 = arith.constant 0 : i32
        %dma_start3A_432 = tpu.memref_slice %arg2[%dma_start3A_430, %dma_start3A_431] : memref<10000x128xf32, #tpu.memory_space<hbm>> -> memref<10000x128xf32, #tpu.memory_space<hbm>>
        tpu.enqueue_indirect_dma source(%dma_start3A_432 : memref<10000x128xf32, #tpu.memory_space<hbm>>) target(%arg17 : memref<64x128xf32, #tpu.memory_space<vmem>>) offsets(%dma_start3A_429 : memref<64xi32, #tpu.memory_space<vmem>>) semaphore(%arg33 : memref<!tpu.dma_semaphore, #tpu.memory_space<semaphore_mem>>)
      } else {
      }
      %mul3A_376 = arith.constant 3 : i32
      %mul3A_377 = arith.muli %mul3A_376, %add3A_234 : i32
      %add3A_378 = arith.constant 0 : i32
      %add3A_379 = arith.addi %mul3A_377, %add3A_378 : i32
      %lt3A_380 = arith.constant 53 : i32
      %lt3A_381 = arith.cmpi slt, %add3A_234, %lt3A_380 : i32
      %mul3A_382 = arith.constant 16 : i32
      %mul3A_383 = arith.muli %mul3A_382, %add3A_379 : i32
      %add3A_384 = arith.addi %arg1, %mul3A_383 : i32
      %lt3A_385 = arith.constant 2500 : i32
      %lt3A_386 = arith.cmpi slt, %add3A_384, %lt3A_385 : i32
      %and3A_387 = arith.andi %lt3A_381, %lt3A_386 : i1
      %convert_element_type3A_388 = arith.extui %and3A_387 : i1 to i32
      %cond3A_389 = arith.constant 0 : i32
      %cond3A_390 = arith.cmpi ne, %convert_element_type3A_388, %cond3A_389 : i32
      scf.if %cond3A_390 {
        %dma_wait3A = arith.constant 0 : i32
        %dma_wait3A_422 = arith.constant 0 : i32
        %dma_wait3A_423 = tpu.memref_slice %arg9[%dma_wait3A, %dma_wait3A_422] : memref<2x64xi32, #tpu.memory_space<vmem>> -> memref<1x64xi32, #tpu.memory_space<vmem>>
        %dma_wait3A_424 = tpu.memref_squeeze %dma_wait3A_423 : memref<1x64xi32, #tpu.memory_space<vmem>> -> memref<64xi32, #tpu.memory_space<vmem>>
        %dma_wait3A_425 = arith.constant 0 : i32
        %dma_wait3A_426 = arith.constant 0 : i32
        %dma_wait3A_427 = tpu.memref_slice %arg2[%dma_wait3A_425, %dma_wait3A_426] : memref<10000x128xf32, #tpu.memory_space<hbm>> -> memref<10000x128xf32, #tpu.memory_space<hbm>>
        tpu.wait_indirect_dma semaphore(%arg31 : memref<!tpu.dma_semaphore, #tpu.memory_space<semaphore_mem>>) src(%dma_wait3A_427 : memref<10000x128xf32, #tpu.memory_space<hbm>>) dst(%arg15 : memref<64x128xf32, #tpu.memory_space<vmem>>)
        %dma_start3A = arith.constant 1 : i32
        %dma_start3A_428 = arith.constant 0 : i32
        %dma_start3A_429 = tpu.memref_slice %arg9[%dma_start3A, %dma_start3A_428] : memref<2x64xi32, #tpu.memory_space<vmem>> -> memref<1x64xi32, #tpu.memory_space<vmem>>
        %dma_start3A_430 = tpu.memref_squeeze %dma_start3A_429 : memref<1x64xi32, #tpu.memory_space<vmem>> -> memref<64xi32, #tpu.memory_space<vmem>>
        %dma_start3A_431 = arith.constant 0 : i32
        %dma_start3A_432 = arith.constant 0 : i32
        %dma_start3A_433 = tpu.memref_slice %arg20[%dma_start3A_431, %dma_start3A_432] : memref<10000x128xf32, #tpu.memory_space<vmem_shared>> -> memref<10000x128xf32, #tpu.memory_space<vmem_shared>>
        tpu.enqueue_indirect_dma source(%arg15 : memref<64x128xf32, #tpu.memory_space<vmem>>) target(%dma_start3A_433 : memref<10000x128xf32, #tpu.memory_space<vmem_shared>>) offsets(%dma_start3A_430 : memref<64xi32, #tpu.memory_space<vmem>>) semaphore(%arg37 : memref<!tpu.dma_semaphore, #tpu.memory_space<semaphore_mem>>) {add = true}
        %dma_start3A_434 = arith.constant 1 : i32
        %dma_start3A_435 = arith.constant 0 : i32
        %dma_start3A_436 = tpu.memref_slice %arg9[%dma_start3A_434, %dma_start3A_435] : memref<2x64xi32, #tpu.memory_space<vmem>> -> memref<1x64xi32, #tpu.memory_space<vmem>>
        %dma_start3A_437 = tpu.memref_squeeze %dma_start3A_436 : memref<1x64xi32, #tpu.memory_space<vmem>> -> memref<64xi32, #tpu.memory_space<vmem>>
        %dma_start3A_438 = arith.constant 0 : i32
        %dma_start3A_439 = tpu.memref_slice %arg21[%dma_start3A_438] : memref<10000xf32, #tpu.memory_space<vmem_shared>> -> memref<10000xf32, #tpu.memory_space<vmem_shared>>
        tpu.enqueue_indirect_dma source(%arg18 : memref<64xf32, #tpu.memory_space<vmem>>) target(%dma_start3A_439 : memref<10000xf32, #tpu.memory_space<vmem_shared>>) offsets(%dma_start3A_437 : memref<64xi32, #tpu.memory_space<vmem>>) semaphore(%arg43 : memref<!tpu.dma_semaphore, #tpu.memory_space<semaphore_mem>>) {add = true}
      } else {
      }
      %mul3A_391 = arith.constant 3 : i32
      %mul3A_392 = arith.muli %mul3A_391, %add3A_234 : i32
      %add3A_393 = arith.constant 1 : i32
      %add3A_394 = arith.addi %mul3A_392, %add3A_393 : i32
      %lt3A_395 = arith.constant 53 : i32
      %lt3A_396 = arith.cmpi slt, %add3A_234, %lt3A_395 : i32
      %mul3A_397 = arith.constant 16 : i32
      %mul3A_398 = arith.muli %mul3A_397, %add3A_394 : i32
      %add3A_399 = arith.addi %arg1, %mul3A_398 : i32
      %lt3A_400 = arith.constant 2500 : i32
      %lt3A_401 = arith.cmpi slt, %add3A_399, %lt3A_400 : i32
      %and3A_402 = arith.andi %lt3A_396, %lt3A_401 : i1
      %convert_element_type3A_403 = arith.extui %and3A_402 : i1 to i32
      %cond3A_404 = arith.constant 0 : i32
      %cond3A_405 = arith.cmpi ne, %convert_element_type3A_403, %cond3A_404 : i32
      scf.if %cond3A_405 {
        %dma_wait3A = arith.constant 0 : i32
        %dma_wait3A_422 = arith.constant 0 : i32
        %dma_wait3A_423 = tpu.memref_slice %arg10[%dma_wait3A, %dma_wait3A_422] : memref<2x64xi32, #tpu.memory_space<vmem>> -> memref<1x64xi32, #tpu.memory_space<vmem>>
        %dma_wait3A_424 = tpu.memref_squeeze %dma_wait3A_423 : memref<1x64xi32, #tpu.memory_space<vmem>> -> memref<64xi32, #tpu.memory_space<vmem>>
        %dma_wait3A_425 = arith.constant 0 : i32
        %dma_wait3A_426 = arith.constant 0 : i32
        %dma_wait3A_427 = tpu.memref_slice %arg2[%dma_wait3A_425, %dma_wait3A_426] : memref<10000x128xf32, #tpu.memory_space<hbm>> -> memref<10000x128xf32, #tpu.memory_space<hbm>>
        tpu.wait_indirect_dma semaphore(%arg32 : memref<!tpu.dma_semaphore, #tpu.memory_space<semaphore_mem>>) src(%dma_wait3A_427 : memref<10000x128xf32, #tpu.memory_space<hbm>>) dst(%arg16 : memref<64x128xf32, #tpu.memory_space<vmem>>)
        %dma_start3A = arith.constant 1 : i32
        %dma_start3A_428 = arith.constant 0 : i32
        %dma_start3A_429 = tpu.memref_slice %arg10[%dma_start3A, %dma_start3A_428] : memref<2x64xi32, #tpu.memory_space<vmem>> -> memref<1x64xi32, #tpu.memory_space<vmem>>
        %dma_start3A_430 = tpu.memref_squeeze %dma_start3A_429 : memref<1x64xi32, #tpu.memory_space<vmem>> -> memref<64xi32, #tpu.memory_space<vmem>>
        %dma_start3A_431 = arith.constant 0 : i32
        %dma_start3A_432 = arith.constant 0 : i32
        %dma_start3A_433 = tpu.memref_slice %arg20[%dma_start3A_431, %dma_start3A_432] : memref<10000x128xf32, #tpu.memory_space<vmem_shared>> -> memref<10000x128xf32, #tpu.memory_space<vmem_shared>>
        tpu.enqueue_indirect_dma source(%arg16 : memref<64x128xf32, #tpu.memory_space<vmem>>) target(%dma_start3A_433 : memref<10000x128xf32, #tpu.memory_space<vmem_shared>>) offsets(%dma_start3A_430 : memref<64xi32, #tpu.memory_space<vmem>>) semaphore(%arg38 : memref<!tpu.dma_semaphore, #tpu.memory_space<semaphore_mem>>) {add = true}
        %dma_start3A_434 = arith.constant 1 : i32
        %dma_start3A_435 = arith.constant 0 : i32
        %dma_start3A_436 = tpu.memref_slice %arg10[%dma_start3A_434, %dma_start3A_435] : memref<2x64xi32, #tpu.memory_space<vmem>> -> memref<1x64xi32, #tpu.memory_space<vmem>>
        %dma_start3A_437 = tpu.memref_squeeze %dma_start3A_436 : memref<1x64xi32, #tpu.memory_space<vmem>> -> memref<64xi32, #tpu.memory_space<vmem>>
        %dma_start3A_438 = arith.constant 0 : i32
        %dma_start3A_439 = tpu.memref_slice %arg21[%dma_start3A_438] : memref<10000xf32, #tpu.memory_space<vmem_shared>> -> memref<10000xf32, #tpu.memory_space<vmem_shared>>
        tpu.enqueue_indirect_dma source(%arg18 : memref<64xf32, #tpu.memory_space<vmem>>) target(%dma_start3A_439 : memref<10000xf32, #tpu.memory_space<vmem_shared>>) offsets(%dma_start3A_437 : memref<64xi32, #tpu.memory_space<vmem>>) semaphore(%arg44 : memref<!tpu.dma_semaphore, #tpu.memory_space<semaphore_mem>>) {add = true}
      } else {
      }
      %mul3A_406 = arith.constant 3 : i32
      %mul3A_407 = arith.muli %mul3A_406, %add3A_234 : i32
      %add3A_408 = arith.constant 2 : i32
      %add3A_409 = arith.addi %mul3A_407, %add3A_408 : i32
      %lt3A_410 = arith.constant 53 : i32
      %lt3A_411 = arith.cmpi slt, %add3A_234, %lt3A_410 : i32
      %mul3A_412 = arith.constant 16 : i32
      %mul3A_413 = arith.muli %mul3A_412, %add3A_409 : i32
      %add3A_414 = arith.addi %arg1, %mul3A_413 : i32
      %lt3A_415 = arith.constant 2500 : i32
      %lt3A_416 = arith.cmpi slt, %add3A_414, %lt3A_415 : i32
      %and3A_417 = arith.andi %lt3A_411, %lt3A_416 : i1
      %convert_element_type3A_418 = arith.extui %and3A_417 : i1 to i32
      %cond3A_419 = arith.constant 0 : i32
      %cond3A_420 = arith.cmpi ne, %convert_element_type3A_418, %cond3A_419 : i32
      scf.if %cond3A_420 {
        %dma_wait3A = arith.constant 0 : i32
        %dma_wait3A_422 = arith.constant 0 : i32
        %dma_wait3A_423 = tpu.memref_slice %arg11[%dma_wait3A, %dma_wait3A_422] : memref<2x64xi32, #tpu.memory_space<vmem>> -> memref<1x64xi32, #tpu.memory_space<vmem>>
        %dma_wait3A_424 = tpu.memref_squeeze %dma_wait3A_423 : memref<1x64xi32, #tpu.memory_space<vmem>> -> memref<64xi32, #tpu.memory_space<vmem>>
        %dma_wait3A_425 = arith.constant 0 : i32
        %dma_wait3A_426 = arith.constant 0 : i32
        %dma_wait3A_427 = tpu.memref_slice %arg2[%dma_wait3A_425, %dma_wait3A_426] : memref<10000x128xf32, #tpu.memory_space<hbm>> -> memref<10000x128xf32, #tpu.memory_space<hbm>>
        tpu.wait_indirect_dma semaphore(%arg33 : memref<!tpu.dma_semaphore, #tpu.memory_space<semaphore_mem>>) src(%dma_wait3A_427 : memref<10000x128xf32, #tpu.memory_space<hbm>>) dst(%arg17 : memref<64x128xf32, #tpu.memory_space<vmem>>)
        %dma_start3A = arith.constant 1 : i32
        %dma_start3A_428 = arith.constant 0 : i32
        %dma_start3A_429 = tpu.memref_slice %arg11[%dma_start3A, %dma_start3A_428] : memref<2x64xi32, #tpu.memory_space<vmem>> -> memref<1x64xi32, #tpu.memory_space<vmem>>
        %dma_start3A_430 = tpu.memref_squeeze %dma_start3A_429 : memref<1x64xi32, #tpu.memory_space<vmem>> -> memref<64xi32, #tpu.memory_space<vmem>>
        %dma_start3A_431 = arith.constant 0 : i32
        %dma_start3A_432 = arith.constant 0 : i32
        %dma_start3A_433 = tpu.memref_slice %arg20[%dma_start3A_431, %dma_start3A_432] : memref<10000x128xf32, #tpu.memory_space<vmem_shared>> -> memref<10000x128xf32, #tpu.memory_space<vmem_shared>>
        tpu.enqueue_indirect_dma source(%arg17 : memref<64x128xf32, #tpu.memory_space<vmem>>) target(%dma_start3A_433 : memref<10000x128xf32, #tpu.memory_space<vmem_shared>>) offsets(%dma_start3A_430 : memref<64xi32, #tpu.memory_space<vmem>>) semaphore(%arg39 : memref<!tpu.dma_semaphore, #tpu.memory_space<semaphore_mem>>) {add = true}
        %dma_start3A_434 = arith.constant 1 : i32
        %dma_start3A_435 = arith.constant 0 : i32
        %dma_start3A_436 = tpu.memref_slice %arg11[%dma_start3A_434, %dma_start3A_435] : memref<2x64xi32, #tpu.memory_space<vmem>> -> memref<1x64xi32, #tpu.memory_space<vmem>>
        %dma_start3A_437 = tpu.memref_squeeze %dma_start3A_436 : memref<1x64xi32, #tpu.memory_space<vmem>> -> memref<64xi32, #tpu.memory_space<vmem>>
        %dma_start3A_438 = arith.constant 0 : i32
        %dma_start3A_439 = tpu.memref_slice %arg21[%dma_start3A_438] : memref<10000xf32, #tpu.memory_space<vmem_shared>> -> memref<10000xf32, #tpu.memory_space<vmem_shared>>
        tpu.enqueue_indirect_dma source(%arg18 : memref<64xf32, #tpu.memory_space<vmem>>) target(%dma_start3A_439 : memref<10000xf32, #tpu.memory_space<vmem_shared>>) offsets(%dma_start3A_437 : memref<64xi32, #tpu.memory_space<vmem>>) semaphore(%arg45 : memref<!tpu.dma_semaphore, #tpu.memory_space<semaphore_mem>>) {add = true}
      } else {
      }
      %scan3A_421 = arith.constant 0 : i32
      scf.yield %scan3A_421 : i32
    }
    %scan3A_31 = arith.constant 28 : i32
    %barrier3A_32 = arith.constant 0 : index
    tpu.barrier barrier_id(%barrier3A_32)
    %scan3A_33 = arith.constant 0 : i32
    %scan3A_34 = arith.constant 0 : i32
    %scan3A_35 = arith.constant 10 : i32
    %scan3A_36 = arith.addi %scan3A_34, %scan3A_35 : i32
    %scan3A_37 = arith.constant 1 : i32
    %scan3A_38 = scf.for %scan3A_45 = %scan3A_34 to %scan3A_36 step %scan3A_37 iter_args(%scan3A_46 = %scan3A_33) -> (i32)  : i32 {
      %mul3A = arith.constant 16 : i32
      %mul3A_47 = arith.muli %mul3A, %scan3A_45 : i32
      %add3A = arith.addi %arg1, %mul3A_47 : i32
      %lt3A = arith.constant 156 : i32
      %lt3A_48 = arith.cmpi slt, %add3A, %lt3A : i32
      %convert_element_type3A_49 = arith.extui %lt3A_48 : i1 to i32
      %cond3A_50 = arith.constant 0 : i32
      %cond3A_51 = arith.cmpi ne, %convert_element_type3A_49, %cond3A_50 : i32
      scf.if %cond3A_51 {
        %mul3A_53 = arith.constant 64 : i32
        %mul3A_54 = arith.muli %add3A, %mul3A_53 : i32
        "tpu.region"() ({
          %run_scoped3A = tpu.sem_alloc : memref<!tpu.dma_semaphore, #tpu.memory_space<semaphore_mem>>
          %dma_start3A = arith.constant 0 : i32
          %dma_start3A_58 = tpu.memref_slice %arg20[%mul3A_54, %dma_start3A] : memref<10000x128xf32, #tpu.memory_space<vmem_shared>> -> memref<64x128xf32, #tpu.memory_space<vmem_shared>>
          %dma_start3A_59 = arith.constant 0 : i32
          %dma_start3A_60 = tpu.memref_slice %arg20[%mul3A_54, %dma_start3A_59] : memref<10000x128xf32, #tpu.memory_space<vmem_shared>> -> memref<64x128xf32, #tpu.memory_space<vmem_shared>>
          tpu.enqueue_dma source(%dma_start3A_60 : memref<64x128xf32, #tpu.memory_space<vmem_shared>>) target(%arg12 : memref<64x128xf32, #tpu.memory_space<vmem>>) target_semaphore(%run_scoped3A : memref<!tpu.dma_semaphore, #tpu.memory_space<semaphore_mem>>)
          %dma_wait3A = arith.constant 0 : i32
          %dma_wait3A_61 = tpu.memref_slice %arg20[%mul3A_54, %dma_wait3A] : memref<10000x128xf32, #tpu.memory_space<vmem_shared>> -> memref<64x128xf32, #tpu.memory_space<vmem_shared>>
          %dma_wait3A_62 = arith.constant 0 : i32
          %dma_wait3A_63 = tpu.memref_slice %arg20[%mul3A_54, %dma_wait3A_62] : memref<10000x128xf32, #tpu.memory_space<vmem_shared>> -> memref<64x128xf32, #tpu.memory_space<vmem_shared>>
          tpu.wait_dma2 semaphore(%run_scoped3A : memref<!tpu.dma_semaphore, #tpu.memory_space<semaphore_mem>>) src(%dma_wait3A_63 : memref<64x128xf32, #tpu.memory_space<vmem_shared>>) dst(%arg12 : memref<64x128xf32, #tpu.memory_space<vmem>>)
          tpu.yield
        }) : () -> ()
        "tpu.region"() ({
          %run_scoped3A = tpu.sem_alloc : memref<!tpu.dma_semaphore, #tpu.memory_space<semaphore_mem>>
          %dma_start3A = arith.constant 0 : i32
          %dma_start3A_58 = tpu.memref_slice %arg4[%arg0, %mul3A_54, %dma_start3A] : memref<2x10000x128xf32, #tpu.memory_space<hbm>> -> memref<1x64x128xf32, #tpu.memory_space<hbm>>
          %dma_start3A_59 = tpu.memref_squeeze %dma_start3A_58 : memref<1x64x128xf32, #tpu.memory_space<hbm>> -> memref<64x128xf32, #tpu.memory_space<hbm>>
          %dma_start3A_60 = arith.constant 0 : i32
          %dma_start3A_61 = tpu.memref_slice %arg4[%arg0, %mul3A_54, %dma_start3A_60] : memref<2x10000x128xf32, #tpu.memory_space<hbm>> -> memref<1x64x128xf32, #tpu.memory_space<hbm>>
          %dma_start3A_62 = tpu.memref_squeeze %dma_start3A_61 : memref<1x64x128xf32, #tpu.memory_space<hbm>> -> memref<64x128xf32, #tpu.memory_space<hbm>>
          tpu.enqueue_dma source(%arg12 : memref<64x128xf32, #tpu.memory_space<vmem>>) target(%dma_start3A_62 : memref<64x128xf32, #tpu.memory_space<hbm>>) target_semaphore(%run_scoped3A : memref<!tpu.dma_semaphore, #tpu.memory_space<semaphore_mem>>)
          %dma_wait3A = arith.constant 0 : i32
          %dma_wait3A_63 = tpu.memref_slice %arg4[%arg0, %mul3A_54, %dma_wait3A] : memref<2x10000x128xf32, #tpu.memory_space<hbm>> -> memref<1x64x128xf32, #tpu.memory_space<hbm>>
          %dma_wait3A_64 = tpu.memref_squeeze %dma_wait3A_63 : memref<1x64x128xf32, #tpu.memory_space<hbm>> -> memref<64x128xf32, #tpu.memory_space<hbm>>
          %dma_wait3A_65 = arith.constant 0 : i32
          %dma_wait3A_66 = tpu.memref_slice %arg4[%arg0, %mul3A_54, %dma_wait3A_65] : memref<2x10000x128xf32, #tpu.memory_space<hbm>> -> memref<1x64x128xf32, #tpu.memory_space<hbm>>
          %dma_wait3A_67 = tpu.memref_squeeze %dma_wait3A_66 : memref<1x64x128xf32, #tpu.memory_space<hbm>> -> memref<64x128xf32, #tpu.memory_space<hbm>>
          tpu.wait_dma2 semaphore(%run_scoped3A : memref<!tpu.dma_semaphore, #tpu.memory_space<semaphore_mem>>) src(%arg12 : memref<64x128xf32, #tpu.memory_space<vmem>>) dst(%dma_wait3A_67 : memref<64x128xf32, #tpu.memory_space<hbm>>)
          tpu.yield
        }) : () -> ()
        "tpu.region"() ({
          %run_scoped3A = tpu.sem_alloc : memref<!tpu.dma_semaphore, #tpu.memory_space<semaphore_mem>>
          %dma_start3A = tpu.memref_slice %arg21[%mul3A_54] : memref<10000xf32, #tpu.memory_space<vmem_shared>> -> memref<64xf32, #tpu.memory_space<vmem_shared>>
          %dma_start3A_58 = tpu.memref_slice %arg21[%mul3A_54] : memref<10000xf32, #tpu.memory_space<vmem_shared>> -> memref<64xf32, #tpu.memory_space<vmem_shared>>
          tpu.enqueue_dma source(%dma_start3A_58 : memref<64xf32, #tpu.memory_space<vmem_shared>>) target(%arg19 : memref<64xf32, #tpu.memory_space<vmem>>) target_semaphore(%run_scoped3A : memref<!tpu.dma_semaphore, #tpu.memory_space<semaphore_mem>>)
          %dma_wait3A = tpu.memref_slice %arg21[%mul3A_54] : memref<10000xf32, #tpu.memory_space<vmem_shared>> -> memref<64xf32, #tpu.memory_space<vmem_shared>>
          %dma_wait3A_59 = tpu.memref_slice %arg21[%mul3A_54] : memref<10000xf32, #tpu.memory_space<vmem_shared>> -> memref<64xf32, #tpu.memory_space<vmem_shared>>
          tpu.wait_dma2 semaphore(%run_scoped3A : memref<!tpu.dma_semaphore, #tpu.memory_space<semaphore_mem>>) src(%dma_wait3A_59 : memref<64xf32, #tpu.memory_space<vmem_shared>>) dst(%arg19 : memref<64xf32, #tpu.memory_space<vmem>>)
          tpu.yield
        }) : () -> ()
        %mul3A_55 = arith.constant 10000 : i32
        %mul3A_56 = arith.muli %arg0, %mul3A_55 : i32
        %add3A_57 = arith.addi %mul3A_56, %mul3A_54 : i32
        "tpu.region"() ({
          %run_scoped3A = tpu.sem_alloc : memref<!tpu.dma_semaphore, #tpu.memory_space<semaphore_mem>>
          %dma_start3A = tpu.memref_slice %arg5[%add3A_57] : memref<20000xf32, #tpu.memory_space<hbm>> -> memref<64xf32, #tpu.memory_space<hbm>>
          %dma_start3A_58 = tpu.memref_slice %arg5[%add3A_57] : memref<20000xf32, #tpu.memory_space<hbm>> -> memref<64xf32, #tpu.memory_space<hbm>>
          tpu.enqueue_dma source(%arg19 : memref<64xf32, #tpu.memory_space<vmem>>) target(%dma_start3A_58 : memref<64xf32, #tpu.memory_space<hbm>>) target_semaphore(%run_scoped3A : memref<!tpu.dma_semaphore, #tpu.memory_space<semaphore_mem>>)
          %dma_wait3A = tpu.memref_slice %arg5[%add3A_57] : memref<20000xf32, #tpu.memory_space<hbm>> -> memref<64xf32, #tpu.memory_space<hbm>>
          %dma_wait3A_59 = tpu.memref_slice %arg5[%add3A_57] : memref<20000xf32, #tpu.memory_space<hbm>> -> memref<64xf32, #tpu.memory_space<hbm>>
          tpu.wait_dma2 semaphore(%run_scoped3A : memref<!tpu.dma_semaphore, #tpu.memory_space<semaphore_mem>>) src(%arg19 : memref<64xf32, #tpu.memory_space<vmem>>) dst(%dma_wait3A_59 : memref<64xf32, #tpu.memory_space<hbm>>)
          tpu.yield
        }) : () -> ()
      } else {
      }
      %scan3A_52 = arith.constant 0 : i32
      scf.yield %scan3A_52 : i32
    }
    %scan3A_39 = arith.constant 10 : i32
    %eq3A_40 = arith.constant 12 : i32
    %eq3A_41 = arith.cmpi eq, %arg1, %eq3A_40 : i32
    %convert_element_type3A_42 = arith.extui %eq3A_41 : i1 to i32
    %cond3A_43 = arith.constant 0 : i32
    %cond3A_44 = arith.cmpi ne, %convert_element_type3A_42, %cond3A_43 : i32
    scf.if %cond3A_44 {
      "tpu.region"() ({
        %run_scoped3A = tpu.sem_alloc : memref<!tpu.dma_semaphore, #tpu.memory_space<semaphore_mem>>
        %dma_start3A = arith.constant 0 : i32
        %dma_start3A_47 = arith.constant 0 : i32
        %dma_start3A_48 = tpu.memref_slice %arg12[%dma_start3A, %dma_start3A_47] : memref<64x128xf32, #tpu.memory_space<vmem>> -> memref<16x128xf32, #tpu.memory_space<vmem>>
        %dma_start3A_49 = arith.constant 9984 : i32
        %dma_start3A_50 = arith.constant 0 : i32
        %dma_start3A_51 = tpu.memref_slice %arg20[%dma_start3A_49, %dma_start3A_50] : memref<10000x128xf32, #tpu.memory_space<vmem_shared>> -> memref<16x128xf32, #tpu.memory_space<vmem_shared>>
        %dma_start3A_52 = arith.constant 0 : i32
        %dma_start3A_53 = arith.constant 0 : i32
        %dma_start3A_54 = tpu.memref_slice %arg12[%dma_start3A_52, %dma_start3A_53] : memref<64x128xf32, #tpu.memory_space<vmem>> -> memref<16x128xf32, #tpu.memory_space<vmem>>
        %dma_start3A_55 = arith.constant 9984 : i32
        %dma_start3A_56 = arith.constant 0 : i32
        %dma_start3A_57 = tpu.memref_slice %arg20[%dma_start3A_55, %dma_start3A_56] : memref<10000x128xf32, #tpu.memory_space<vmem_shared>> -> memref<16x128xf32, #tpu.memory_space<vmem_shared>>
        tpu.enqueue_dma source(%dma_start3A_57 : memref<16x128xf32, #tpu.memory_space<vmem_shared>>) target(%dma_start3A_54 : memref<16x128xf32, #tpu.memory_space<vmem>>) target_semaphore(%run_scoped3A : memref<!tpu.dma_semaphore, #tpu.memory_space<semaphore_mem>>)
        %dma_wait3A = arith.constant 0 : i32
        %dma_wait3A_58 = arith.constant 0 : i32
        %dma_wait3A_59 = tpu.memref_slice %arg12[%dma_wait3A, %dma_wait3A_58] : memref<64x128xf32, #tpu.memory_space<vmem>> -> memref<16x128xf32, #tpu.memory_space<vmem>>
        %dma_wait3A_60 = arith.constant 9984 : i32
        %dma_wait3A_61 = arith.constant 0 : i32
        %dma_wait3A_62 = tpu.memref_slice %arg20[%dma_wait3A_60, %dma_wait3A_61] : memref<10000x128xf32, #tpu.memory_space<vmem_shared>> -> memref<16x128xf32, #tpu.memory_space<vmem_shared>>
        %dma_wait3A_63 = arith.constant 0 : i32
        %dma_wait3A_64 = arith.constant 0 : i32
        %dma_wait3A_65 = tpu.memref_slice %arg12[%dma_wait3A_63, %dma_wait3A_64] : memref<64x128xf32, #tpu.memory_space<vmem>> -> memref<16x128xf32, #tpu.memory_space<vmem>>
        %dma_wait3A_66 = arith.constant 9984 : i32
        %dma_wait3A_67 = arith.constant 0 : i32
        %dma_wait3A_68 = tpu.memref_slice %arg20[%dma_wait3A_66, %dma_wait3A_67] : memref<10000x128xf32, #tpu.memory_space<vmem_shared>> -> memref<16x128xf32, #tpu.memory_space<vmem_shared>>
        tpu.wait_dma2 semaphore(%run_scoped3A : memref<!tpu.dma_semaphore, #tpu.memory_space<semaphore_mem>>) src(%dma_wait3A_68 : memref<16x128xf32, #tpu.memory_space<vmem_shared>>) dst(%dma_wait3A_65 : memref<16x128xf32, #tpu.memory_space<vmem>>)
        tpu.yield
      }) : () -> ()
      "tpu.region"() ({
        %run_scoped3A = tpu.sem_alloc : memref<!tpu.dma_semaphore, #tpu.memory_space<semaphore_mem>>
        %dma_start3A = arith.constant 0 : i32
        %dma_start3A_47 = arith.constant 0 : i32
        %dma_start3A_48 = tpu.memref_slice %arg12[%dma_start3A, %dma_start3A_47] : memref<64x128xf32, #tpu.memory_space<vmem>> -> memref<16x128xf32, #tpu.memory_space<vmem>>
        %dma_start3A_49 = arith.constant 9984 : i32
        %dma_start3A_50 = arith.constant 0 : i32
        %dma_start3A_51 = tpu.memref_slice %arg4[%arg0, %dma_start3A_49, %dma_start3A_50] : memref<2x10000x128xf32, #tpu.memory_space<hbm>> -> memref<1x16x128xf32, #tpu.memory_space<hbm>>
        %dma_start3A_52 = tpu.memref_squeeze %dma_start3A_51 : memref<1x16x128xf32, #tpu.memory_space<hbm>> -> memref<16x128xf32, #tpu.memory_space<hbm>>
        %dma_start3A_53 = arith.constant 9984 : i32
        %dma_start3A_54 = arith.constant 0 : i32
        %dma_start3A_55 = tpu.memref_slice %arg4[%arg0, %dma_start3A_53, %dma_start3A_54] : memref<2x10000x128xf32, #tpu.memory_space<hbm>> -> memref<1x16x128xf32, #tpu.memory_space<hbm>>
        %dma_start3A_56 = tpu.memref_squeeze %dma_start3A_55 : memref<1x16x128xf32, #tpu.memory_space<hbm>> -> memref<16x128xf32, #tpu.memory_space<hbm>>
        %dma_start3A_57 = arith.constant 0 : i32
        %dma_start3A_58 = arith.constant 0 : i32
        %dma_start3A_59 = tpu.memref_slice %arg12[%dma_start3A_57, %dma_start3A_58] : memref<64x128xf32, #tpu.memory_space<vmem>> -> memref<16x128xf32, #tpu.memory_space<vmem>>
        tpu.enqueue_dma source(%dma_start3A_59 : memref<16x128xf32, #tpu.memory_space<vmem>>) target(%dma_start3A_56 : memref<16x128xf32, #tpu.memory_space<hbm>>) target_semaphore(%run_scoped3A : memref<!tpu.dma_semaphore, #tpu.memory_space<semaphore_mem>>)
        %dma_wait3A = arith.constant 0 : i32
        %dma_wait3A_60 = arith.constant 0 : i32
        %dma_wait3A_61 = tpu.memref_slice %arg12[%dma_wait3A, %dma_wait3A_60] : memref<64x128xf32, #tpu.memory_space<vmem>> -> memref<16x128xf32, #tpu.memory_space<vmem>>
        %dma_wait3A_62 = arith.constant 9984 : i32
        %dma_wait3A_63 = arith.constant 0 : i32
        %dma_wait3A_64 = tpu.memref_slice %arg4[%arg0, %dma_wait3A_62, %dma_wait3A_63] : memref<2x10000x128xf32, #tpu.memory_space<hbm>> -> memref<1x16x128xf32, #tpu.memory_space<hbm>>
        %dma_wait3A_65 = tpu.memref_squeeze %dma_wait3A_64 : memref<1x16x128xf32, #tpu.memory_space<hbm>> -> memref<16x128xf32, #tpu.memory_space<hbm>>
        %dma_wait3A_66 = arith.constant 9984 : i32
        %dma_wait3A_67 = arith.constant 0 : i32
        %dma_wait3A_68 = tpu.memref_slice %arg4[%arg0, %dma_wait3A_66, %dma_wait3A_67] : memref<2x10000x128xf32, #tpu.memory_space<hbm>> -> memref<1x16x128xf32, #tpu.memory_space<hbm>>
        %dma_wait3A_69 = tpu.memref_squeeze %dma_wait3A_68 : memref<1x16x128xf32, #tpu.memory_space<hbm>> -> memref<16x128xf32, #tpu.memory_space<hbm>>
        %dma_wait3A_70 = arith.constant 0 : i32
        %dma_wait3A_71 = arith.constant 0 : i32
        %dma_wait3A_72 = tpu.memref_slice %arg12[%dma_wait3A_70, %dma_wait3A_71] : memref<64x128xf32, #tpu.memory_space<vmem>> -> memref<16x128xf32, #tpu.memory_space<vmem>>
        tpu.wait_dma2 semaphore(%run_scoped3A : memref<!tpu.dma_semaphore, #tpu.memory_space<semaphore_mem>>) src(%dma_wait3A_72 : memref<16x128xf32, #tpu.memory_space<vmem>>) dst(%dma_wait3A_69 : memref<16x128xf32, #tpu.memory_space<hbm>>)
        tpu.yield
      }) : () -> ()
      "tpu.region"() ({
        %run_scoped3A = tpu.sem_alloc : memref<!tpu.dma_semaphore, #tpu.memory_space<semaphore_mem>>
        %dma_start3A = arith.constant 0 : i32
        %dma_start3A_47 = tpu.memref_slice %arg19[%dma_start3A] : memref<64xf32, #tpu.memory_space<vmem>> -> memref<16xf32, #tpu.memory_space<vmem>>
        %dma_start3A_48 = arith.constant 9984 : i32
        %dma_start3A_49 = tpu.memref_slice %arg21[%dma_start3A_48] : memref<10000xf32, #tpu.memory_space<vmem_shared>> -> memref<16xf32, #tpu.memory_space<vmem_shared>>
        %dma_start3A_50 = arith.constant 0 : i32
        %dma_start3A_51 = tpu.memref_slice %arg19[%dma_start3A_50] : memref<64xf32, #tpu.memory_space<vmem>> -> memref<16xf32, #tpu.memory_space<vmem>>
        %dma_start3A_52 = arith.constant 9984 : i32
        %dma_start3A_53 = tpu.memref_slice %arg21[%dma_start3A_52] : memref<10000xf32, #tpu.memory_space<vmem_shared>> -> memref<16xf32, #tpu.memory_space<vmem_shared>>
        tpu.enqueue_dma source(%dma_start3A_53 : memref<16xf32, #tpu.memory_space<vmem_shared>>) target(%dma_start3A_51 : memref<16xf32, #tpu.memory_space<vmem>>) target_semaphore(%run_scoped3A : memref<!tpu.dma_semaphore, #tpu.memory_space<semaphore_mem>>)
        %dma_wait3A = arith.constant 0 : i32
        %dma_wait3A_54 = tpu.memref_slice %arg19[%dma_wait3A] : memref<64xf32, #tpu.memory_space<vmem>> -> memref<16xf32, #tpu.memory_space<vmem>>
        %dma_wait3A_55 = arith.constant 9984 : i32
        %dma_wait3A_56 = tpu.memref_slice %arg21[%dma_wait3A_55] : memref<10000xf32, #tpu.memory_space<vmem_shared>> -> memref<16xf32, #tpu.memory_space<vmem_shared>>
        %dma_wait3A_57 = arith.constant 0 : i32
        %dma_wait3A_58 = tpu.memref_slice %arg19[%dma_wait3A_57] : memref<64xf32, #tpu.memory_space<vmem>> -> memref<16xf32, #tpu.memory_space<vmem>>
        %dma_wait3A_59 = arith.constant 9984 : i32
        %dma_wait3A_60 = tpu.memref_slice %arg21[%dma_wait3A_59] : memref<10000xf32, #tpu.memory_space<vmem_shared>> -> memref<16xf32, #tpu.memory_space<vmem_shared>>
        tpu.wait_dma2 semaphore(%run_scoped3A : memref<!tpu.dma_semaphore, #tpu.memory_space<semaphore_mem>>) src(%dma_wait3A_60 : memref<16xf32, #tpu.memory_space<vmem_shared>>) dst(%dma_wait3A_58 : memref<16xf32, #tpu.memory_space<vmem>>)
        tpu.yield
      }) : () -> ()
      %mul3A = arith.constant 10000 : i32
      %mul3A_45 = arith.muli %arg0, %mul3A : i32
      %add3A = arith.constant 9984 : i32
      %add3A_46 = arith.addi %mul3A_45, %add3A : i32
      "tpu.region"() ({
        %run_scoped3A = tpu.sem_alloc : memref<!tpu.dma_semaphore, #tpu.memory_space<semaphore_mem>>
        %dma_start3A = arith.constant 0 : i32
        %dma_start3A_47 = tpu.memref_slice %arg19[%dma_start3A] : memref<64xf32, #tpu.memory_space<vmem>> -> memref<16xf32, #tpu.memory_space<vmem>>
        %dma_start3A_48 = tpu.memref_slice %arg5[%add3A_46] : memref<20000xf32, #tpu.memory_space<hbm>> -> memref<16xf32, #tpu.memory_space<hbm>>
        %dma_start3A_49 = tpu.memref_slice %arg5[%add3A_46] : memref<20000xf32, #tpu.memory_space<hbm>> -> memref<16xf32, #tpu.memory_space<hbm>>
        %dma_start3A_50 = arith.constant 0 : i32
        %dma_start3A_51 = tpu.memref_slice %arg19[%dma_start3A_50] : memref<64xf32, #tpu.memory_space<vmem>> -> memref<16xf32, #tpu.memory_space<vmem>>
        tpu.enqueue_dma source(%dma_start3A_51 : memref<16xf32, #tpu.memory_space<vmem>>) target(%dma_start3A_49 : memref<16xf32, #tpu.memory_space<hbm>>) target_semaphore(%run_scoped3A : memref<!tpu.dma_semaphore, #tpu.memory_space<semaphore_mem>>)
        %dma_wait3A = arith.constant 0 : i32
        %dma_wait3A_52 = tpu.memref_slice %arg19[%dma_wait3A] : memref<64xf32, #tpu.memory_space<vmem>> -> memref<16xf32, #tpu.memory_space<vmem>>
        %dma_wait3A_53 = tpu.memref_slice %arg5[%add3A_46] : memref<20000xf32, #tpu.memory_space<hbm>> -> memref<16xf32, #tpu.memory_space<hbm>>
        %dma_wait3A_54 = tpu.memref_slice %arg5[%add3A_46] : memref<20000xf32, #tpu.memory_space<hbm>> -> memref<16xf32, #tpu.memory_space<hbm>>
        %dma_wait3A_55 = arith.constant 0 : i32
        %dma_wait3A_56 = tpu.memref_slice %arg19[%dma_wait3A_55] : memref<64xf32, #tpu.memory_space<vmem>> -> memref<16xf32, #tpu.memory_space<vmem>>
        tpu.wait_dma2 semaphore(%run_scoped3A : memref<!tpu.dma_semaphore, #tpu.memory_space<semaphore_mem>>) src(%dma_wait3A_56 : memref<16xf32, #tpu.memory_space<vmem>>) dst(%dma_wait3A_54 : memref<16xf32, #tpu.memory_space<hbm>>)
        tpu.yield
      }) : () -> ()
    } else {
    }
    return
  }
}

module attributes {stable_mosaic.version = 14 : i64} {
  func.func @_combine_body(%arg0: i32, %arg1: memref<2000x128xf32, #tpu.memory_space<vmem>>, %arg2: memref<128x128xf32, #tpu.memory_space<vmem>>, %arg3: memref<2x2000x128xf32, #tpu.memory_space<vmem>>, %arg4: memref<2x2000x1xf32, #tpu.memory_space<vmem>>, %arg5: memref<2000x128xf32, #tpu.memory_space<vmem>>) attributes {dimension_semantics = [#tpu.dimension_semantics<arbitrary>], iteration_bounds = array<i64: 5>, scalar_prefetch = 0 : i64, scratch_operands = 0 : i64, tpu.core_type = #tpu.core_type<tc>, window_params = [{transform_indices = @transform_0, window_bounds = array<i64: 2000, 128>}, {pipeline_mode = #tpu.pipeline_mode<synchronous>, transform_indices = @transform_1, window_bounds = array<i64: 128, 128>}, {transform_indices = @transform_2, window_bounds = array<i64: 2, 2000, 128>}, {transform_indices = @transform_3, window_bounds = array<i64: 2, 2000, 1>}, {transform_indices = @transform_4, window_bounds = array<i64: 2000, 128>}]} {
    %get3A = arith.constant 0 : index
    %get3A_0 = arith.constant 0 : index
    %get3A_1 = vector.load %arg1[%get3A, %get3A_0] : memref<2000x128xf32, #tpu.memory_space<vmem>>, vector<2000x128xf32>
    %get3A_2 = arith.constant 0 : index
    %get3A_3 = arith.constant 0 : index
    %get3A_4 = vector.load %arg2[%get3A_2, %get3A_3] : memref<128x128xf32, #tpu.memory_space<vmem>>, vector<128x128xf32>
    %get3A_5 = arith.constant 0 : index
    %get3A_6 = arith.constant 0 : index
    %get3A_7 = arith.constant 0 : index
    %get3A_8 = vector.load %arg3[%get3A_5, %get3A_6, %get3A_7] : memref<2x2000x128xf32, #tpu.memory_space<vmem>>, vector<1x2000x128xf32>
    %get3A_9 = vector.shape_cast %get3A_8 : vector<1x2000x128xf32> to vector<2000x128xf32>
    %get3A_10 = arith.constant 1 : index
    %get3A_11 = arith.constant 0 : index
    %get3A_12 = arith.constant 0 : index
    %get3A_13 = vector.load %arg3[%get3A_10, %get3A_11, %get3A_12] : memref<2x2000x128xf32, #tpu.memory_space<vmem>>, vector<1x2000x128xf32>
    %get3A_14 = vector.shape_cast %get3A_13 : vector<1x2000x128xf32> to vector<2000x128xf32>
    %add3A = arith.addf %get3A_9, %get3A_14 : vector<2000x128xf32>
    %get3A_15 = arith.constant 0 : index
    %get3A_16 = arith.constant 0 : index
    %get3A_17 = arith.constant 0 : index
    %get3A_18 = vector.load %arg4[%get3A_15, %get3A_16, %get3A_17] : memref<2x2000x1xf32, #tpu.memory_space<vmem>>, vector<1x2000x1xf32>
    %get3A_19 = vector.shape_cast %get3A_18 : vector<1x2000x1xf32> to vector<2000x1xf32>
    %get3A_20 = arith.constant 1 : index
    %get3A_21 = arith.constant 0 : index
    %get3A_22 = arith.constant 0 : index
    %get3A_23 = vector.load %arg4[%get3A_20, %get3A_21, %get3A_22] : memref<2x2000x1xf32, #tpu.memory_space<vmem>>, vector<1x2000x1xf32>
    %get3A_24 = vector.shape_cast %get3A_23 : vector<1x2000x1xf32> to vector<2000x1xf32>
    %add3A_25 = arith.addf %get3A_19, %get3A_24 : vector<2000x1xf32>
    %max3A = arith.constant 1.000000e+00 : f32
    %max3A_26 = vector.broadcast %max3A : f32 to vector<2000x1xf32>
    %max3A_27 = arith.maximumf %add3A_25, %max3A_26 : vector<2000x1xf32>
    %div3A = vector.broadcast %max3A_27 : vector<2000x1xf32> to vector<2000x128xf32>
    %div3A_28 = arith.divf %add3A, %div3A : vector<2000x128xf32>
    %dot_general3A = arith.constant dense<0.000000e+00> : vector<2000x128xf32>
    %dot_general3A_29 = tpu.matmul %get3A_1, %get3A_4, %dot_general3A {dimension_numbers = #tpu.dot_dimension_numbers<[1], [0], [0], [1], [0, 0, 1, 1], [], []>, transpose_lhs_hint = false} : vector<2000x128xf32>, vector<128x128xf32>, vector<2000x128xf32> -> vector<2000x128xf32>
    %add3A_30 = arith.addf %dot_general3A_29, %div3A_28 : vector<2000x128xf32>
    %mul3A = arith.mulf %add3A_30, %add3A_30 : vector<2000x128xf32>
    %reduce_sum3A = arith.constant dense<0.000000e+00> : vector<2000xf32>
    %reduce_sum3A_31 = vector.multi_reduction <add>, %mul3A, %reduce_sum3A [1] : vector<2000x128xf32> to vector<2000xf32>
    %broadcast_in_dim3A = vector.shape_cast %reduce_sum3A_31 : vector<2000xf32> to vector<2000x1xf32>
    %sqrt3A = math.sqrt %broadcast_in_dim3A : vector<2000x1xf32>
    %max3A_32 = arith.constant 9.99999996E-13 : f32
    %max3A_33 = vector.broadcast %max3A_32 : f32 to vector<2000x1xf32>
    %max3A_34 = arith.maximumf %sqrt3A, %max3A_33 : vector<2000x1xf32>
    %div3A_35 = vector.broadcast %max3A_34 : vector<2000x1xf32> to vector<2000x128xf32>
    %div3A_36 = arith.divf %add3A_30, %div3A_35 : vector<2000x128xf32>
    %swap3A = arith.constant 0 : index
    %swap3A_37 = arith.constant 0 : index
    %swap3A_38 = vector.load %arg5[%swap3A, %swap3A_37] : memref<2000x128xf32, #tpu.memory_space<vmem>>, vector<2000x128xf32>
    tpu.vector_store %arg5[%swap3A, %swap3A_37], %div3A_36 {strides = array<i32>} : memref<2000x128xf32, #tpu.memory_space<vmem>>, vector<2000x128xf32>,
    return
  }
  func.func @transform_0(%arg0: i32) -> (i32, i32) {
    %c0_i32 = arith.constant 0 : i32
    %c0_i32_0 = arith.constant 0 : i32
    return %arg0, %c0_i32 : i32, i32
  }
  func.func @transform_1(%arg0: i32) -> (i32, i32) {
    %c0_i32 = arith.constant 0 : i32
    %c0_i32_0 = arith.constant 0 : i32
    %c0_i32_1 = arith.constant 0 : i32
    return %c0_i32, %c0_i32_0 : i32, i32
  }
  func.func @transform_2(%arg0: i32) -> (i32, i32, i32) {
    %c0_i32 = arith.constant 0 : i32
    %c0_i32_0 = arith.constant 0 : i32
    %c0_i32_1 = arith.constant 0 : i32
    return %c0_i32, %arg0, %c0_i32_0 : i32, i32, i32
  }
  func.func @transform_3(%arg0: i32) -> (i32, i32, i32) {
    %c0_i32 = arith.constant 0 : i32
    %c0_i32_0 = arith.constant 0 : i32
    %c0_i32_1 = arith.constant 0 : i32
    return %c0_i32, %arg0, %c0_i32_0 : i32, i32, i32
  }
  func.func @transform_4(%arg0: i32) -> (i32, i32) {
    %c0_i32 = arith.constant 0 : i32
    %c0_i32_0 = arith.constant 0 : i32
    return %arg0, %c0_i32 : i32, i32
  }
}

</mosaic_0001>

<sc_bundles>
// kernel: kernel.4.cloned.1.call-start
scs
__scs_entry_jumppad:
0x0: {  	(pc) =	sbr.rel $0x88, $3  }
0x1: {  	(tag) =	ssettag $0x0;
	lr =	simm.s32 $0x1  }
0x2: {  	[smem:$0x3F9E] =	sst lr;
	_ =	strace $0xD0000000  }
0x3: {  	_ = 	snop  }
0x4: {  	_ = 	snop  }
0x5: {  	_ = 	snop  }
0x6: {  	_ = 	snop  }
0x7: {  	_ = 	snop  }
__scs_overlays_trampoline_lowered:
0x8: {  	[smem:$0x3FAD] =	sst s0  }
0x9: {  	[smem:$0x3FAE] =	sst s1  }
0xa: {  	[smem:$0x3FAF] =	sst s2  }
0xb: {  	[smem:$0x3FB0] =	sst s3  }
0xc: {  	[smem:$0x3FB1] =	sst s4  }
0xd: {  	[smem:$0x3FB2] =	sst s5  }
0xe: {  	[smem:$0x3FB3] =	sst s6  }
0xf: {  	[smem:$0x3FB4] =	sst s7  }
0x10: {  	[smem:$0x3FB5] =	sst s8  }
0x11: {  	[smem:$0x3FB6] =	sst s9;
	s0 =	simm.s32 @!p0 $0x0  }
0x12: {  	s1 =	sld [smem:$0x3F9C];
	s0 =	simm.s32 @p0 $0x1  }
0x13: {  	[smem:$0x3FB7] =	sst s0;
	s0 =	simm.s32 @!p1 $0x0  }
0x14: {  	s2 =	sld [smem:$0x3F9B];
	s0 =	simm.s32 @p1 $0x1  }
0x15: {  	[smem:$0x3FB8] =	sst s0;
	s0 =	simm.s32 @!p2 $0x0  }
0x16: {  	s3 =	sld [smem:$0x3FDB];
	s0 =	simm.s32 @p2 $0x1  }
0x17: {  	s4 =	simm.s32 $0x1BF5;
	[smem:$0x3FBA] =	sst s0  }
0x18: {  	s0 =	sld [smem:$0x3F9D];
	_ =	swait.ge [sflag:s4], $0x0  }
0x19: {  	s7 =	sld [smem:$0x3F9E]  }
0x1a: {  	s8 =	sadd.s32 $0xFFFFE003, lr  }
0x1b: {  	s9 =	sadd.s32 $0xFFFFFEF7, lr;
	s5 =	simm.s32 $0xFFFFFFFF;
	p2 =	slt.u32 s8, $0xFFFFF086  }
0x1c: {  	p1 =	slt.u32 s9, $0xF7A;
	s5 =	simm.s32 @!p2 $0x0  }
0x1d: {  	s5 =	simm.s32 @p1 $0x1;
	p0 =	seq.s32 s7, s2  }
0x1e: {  	s7 =	smul.u32 @!p0 $0xF7A, s2;
	p2 =	seq.s32 @!p0 s5, $0x0  }
0x1f: {  	s9 =	smul.u32 $0xF7A, s1;
	s8 =	simm.s32 @!p0 $0x1BF5;
	p2 =	por !p2, p0  }
0x20: {  	[sflag:s8] =	ssyncset.s32 @!p0 $0xFFFFF086;
	s6 =	sadd.s32 @!p0 s3, s7;
	s7 =	simm.s32 @!p0 $0x108  }
0x21: {  	s3 =	sadd.s32 s3, s9;
	s6 =	sadd.s32 @!p0 $0x88, s6;
	s7 =	simm.s32 @p2 $0x1082  }
0x22: {  	[simem:s7], [sflag:s8] =	dma.local @!p0 [hbm:s6], $0xF7A  }
0x23: {  	s9 =	sor.u32 $0xD0000000, s2;
	s6 =	simm.s32 $0x108;
	_ =	swait.ge @!p0 [sflag:s8], $0x0  }
0x24: {  	s3 =	sadd.s32 $0x88, s3;
	s6 =	simm.s32 @!p1 $0x1082;
	[sflag:s4] =	ssyncset.s32 $0xFFFFF086  }
0x25: {  	[simem:s6], [sflag:s4] =	dma.local [hbm:s3], $0xF7A  }
0x26: {  	[smem:$0x3F9E] =	sst s1;
	(tag) =	ssettag s2;
	_ =	strace s9  }
0x27: {  	s1 =	sld [smem:$0x3FAE]  }
0x28: {  	s2 =	sld [smem:$0x3FAF]  }
0x29: {  	s4 =	sld [smem:$0x3FB1]  }
0x2a: {  	p0 =	seq.s32 s5, $0x0;
	s5 =	sld [smem:$0x3FB2]  }
0x2b: {  	s6 =	sld [smem:$0x3FB3]  }
0x2c: {  	s7 =	sld [smem:$0x3FB4]  }
0x2d: {  	s3 =	simm.s32 $0x108;
	s8 =	sld [smem:$0x3FB5]  }
0x2e: {  	s3 =	simm.s32 @!p0 $0x1082;
	s9 =	sld [smem:$0x3FB6]  }
0x2f: {  	lr =	sadd.s32 s0, s3;
	s0 =	sld [smem:$0x3FAD]  }
0x30: {  	s3 =	sld [smem:$0x3FB0]  }
0x31: {  	[smem:$0x3FB9] =	sst s10  }
0x32: {  	s10 =	sld [smem:$0x3FB7];
	_ =	sdelay $0x3  }
0x33: {  	p0 =	seq.s32 s10, $0x1;
	s10 =	sld [smem:$0x3FB9];
	_ =	sdelay $0x3  }
0x34: {  	[smem:$0x3FB9] =	sst s10  }
0x35: {  	s10 =	sld [smem:$0x3FB8];
	_ =	sdelay $0x3  }
0x36: {  	p1 =	seq.s32 s10, $0x1;
	s10 =	sld [smem:$0x3FB9];
	_ =	sdelay $0x3  }
0x37: {  	[smem:$0x3FB9] =	sst s10  }
0x38: {  	s10 =	sld [smem:$0x3FBA]  }
0x39: {  	_ = 	snop;
	(pc) =	sbr.ind lr, $3  }
0x3a: {  	_ = 	snop  }
0x3b: {  	_ = 	snop  }
0x3c: {  	p2 =	seq.s32 s10, $0x1;
	s10 =	sld [smem:$0x3FB9]  }
0x3d: {  	_ =	shalt  }
0x3e: {  	_ =	shalt  }
0x3f: {  	_ =	shalt  }
0x40: {  	_ =	shalt  }
0x41: {  	_ =	shalt  }
0x42: {  	_ =	shalt  }
0x43: {  	_ =	shalt  }
0x44: {  	_ =	shalt  }
0x45: {  	_ =	shalt  }
0x46: {  	_ =	shalt  }
0x47: {  	_ =	shalt  }
0x48: {  	_ =	shalt  }
0x49: {  	_ =	shalt  }
0x4a: {  	_ =	shalt  }
0x4b: {  	_ =	shalt  }
0x4c: {  	_ =	shalt  }
0x4d: {  	_ =	shalt  }
0x4e: {  	_ =	shalt  }
0x4f: {  	_ =	shalt  }
0x50: {  	_ =	shalt  }
0x51: {  	_ =	shalt  }
0x52: {  	_ =	shalt  }
0x53: {  	_ =	shalt  }
0x54: {  	_ =	shalt  }
0x55: {  	_ =	shalt  }
0x56: {  	_ =	shalt  }
0x57: {  	_ =	shalt  }
0x58: {  	_ =	shalt  }
0x59: {  	_ =	shalt  }
0x5a: {  	_ =	shalt  }
0x5b: {  	_ =	shalt  }
0x5c: {  	_ =	shalt  }
0x5d: {  	_ =	shalt  }
0x5e: {  	_ =	shalt  }
0x5f: {  	_ =	shalt  }
0x60: {  	_ =	shalt  }
0x61: {  	_ =	shalt  }
0x62: {  	_ =	shalt  }
0x63: {  	_ =	shalt  }
0x64: {  	_ =	shalt  }
0x65: {  	_ =	shalt  }
0x66: {  	_ =	shalt  }
0x67: {  	_ =	shalt  }
0x68: {  	_ =	shalt  }
0x69: {  	_ =	shalt  }
0x6a: {  	_ =	shalt  }
0x6b: {  	_ =	shalt  }
0x6c: {  	_ =	shalt  }
0x6d: {  	_ =	shalt  }
0x6e: {  	_ =	shalt  }
0x6f: {  	_ =	shalt  }
0x70: {  	_ =	shalt  }
0x71: {  	_ =	shalt  }
0x72: {  	_ =	shalt  }
0x73: {  	_ =	shalt  }
0x74: {  	_ =	shalt  }
0x75: {  	_ =	shalt  }
0x76: {  	_ =	shalt  }
0x77: {  	_ =	shalt  }
0x78: {  	_ =	shalt  }
0x79: {  	_ =	shalt  }
0x7a: {  	_ =	shalt  }
0x7b: {  	_ =	shalt  }
0x7c: {  	_ =	shalt  }
0x7d: {  	_ =	shalt  }
0x7e: {  	_ =	shalt  }
0x7f: {  	_ =	shalt  }
0x80: {  	_ =	shalt  }
0x81: {  	_ =	shalt  }
0x82: {  	_ =	shalt  }
0x83: {  	_ =	shalt  }
0x84: {  	_ =	shalt  }
0x85: {  	_ =	shalt  }
0x86: {  	_ =	shalt  }
0x87: {  	_ =	shalt  }
.Lfunc_end0:
.L_simem_size_0:
called_computation_lowered:
.L_overlay_start_0:
0x88: {  	s2 =	sld [smem:$0x3FD9]  }
0x89: {  	s3 =	sld [smem:$0x3FFE];
	_ =	sdelay $0x1  }
0x8a: {  	s1 =	srdreg.scid  }
0x8b: {  	s0 =	sand.u32 $0x1, s1  }
0x8c: {  	s17 =	sshll.u32 s0, $0xA;
	s2 =	sadd.s32 s3, s2  }
0x8d: {  	s2 =	sadd.s32 s2, s17  }
0x8e: {  	[smem:$0x3FC5] =	sst s2  }
0x8f: {  	_ = 	snop  }
0x90: {  	s2 =	sld [smem:$0x3FC9]  }
0x91: {  	s18 =	sld [smem:$0x3FD0];
	(tm) =	ssettm $0x1  }
0x92: {  	s4 =	sld [smem:$0x3FFB];
	_ =	sdelay $0x3  }
0x93: {  	_ =	strace s4  }
0x94: {  	s4 =	sld [smem:$0x3FFC];
	_ =	sdelay $0x3  }
0x95: {  	_ =	strace s4  }
0x96: {  	s4 =	sld [smem:$0x3FFD];
	_ =	sdelay $0x3  }
0x97: {  	_ =	strace s4  }
0x98: {  	_ =	strace $0x8FFFFFFF  }
0x99: {  	s19 =	sld [smem:$0x3FDB];
	_ =	sdelay $0x1  }
0x9a: {  	s5 =	simm.s32 $_scs_section_size  }
0x9b: {  	s6 =	simm.s32 $_size__tile_overlayer_lowered;
	s7 =	simm.s32 $_tile_overlayer_lowered  }
0x9c: {  	s22 =	simm.s32 $0x1BFF;
	s21 =	sshll.u32 s7, $0x1;
	s4 =	sadd.s32 s5, s19  }
0x9d: {  	s8 =	simm.s32 $0x0;
	s20 =	sshll.u32 s6, $0x1;
	s6 =	sadd.s32 s21, s4  }
0x9e: {  	[timem:s8], [sflag:s22] =	dma.local [hbm:s6], s20  }
0x9f: {  	_ =	swait.ge [sflag:s22], s20  }
0xa0: {  	s5 =	ssub.s32 $0x0, s20;
	[sflag:s22] =	ssyncset.done $0x0  }
0xa1: {  	[sflag:s22] =	ssyncadd.s32 s5;
	_ =	sdelay $0x1  }
0xa2: {  	s23 =	simm.s32 $0x1B8B  }
0xa3: {  	_ =	swait.ge [sflag:s23], $0x1  }
0xa4: {  	[sflag:s23] =	ssyncset.done $0x0  }
0xa5: {  	s25 =	simm.s32 $0x1B8E;
	s24 =	sld [smem:$0x3FFE];
	[sflag:s23] =	ssyncadd.s32 $0xFFFFFFFF  }
0xa6: {  	s26 =	simm.s32 $execute0_lowered;
	[smem:$0x3FD2] =	sst s25  }
0xa7: {  	s6 =	sshll.u32 s26, $0x1;
	_ =	strace $0x80000046;
	[dreg:$0x1] =	wrdreg $0xFFFFFFFF  }
0xa8: {  	s28 =	simm.s32 $_size_execute0_lowered;
	s4 =	sadd.s32 s4, s6;
	[dreg:$0x0] =	wrdreg $0x0  }
0xa9: {  	s6 =	sshll.u32 s28, $0x1;
	[dreg:$0x2] =	wrdreg s4  }
0xaa: {  	[dreg:$0x3] =	wrdreg s6  }
0xab: {  	[dreg:$0x4] =	wrdreg $0xC0  }
0xac: {  	_ =	task [dreg:s8], $0x5FFFF  }
0xad: {  	[dreg:$0x1] =	wrdreg $0xFFFFFFFF  }
0xae: {  	[dreg:$0x0] =	wrdreg $0x60  }
0xaf: {  	[dreg:$0x2] =	wrdreg s2  }
0xb0: {  	[dreg:$0x3] =	wrdreg s18  }
0xb1: {  	[dreg:$0x4] =	wrdreg s24  }
0xb2: {  	[dreg:$0x5] =	wrdreg $0xC3800  }
0xb3: {  	[dreg:$0x6] =	wrdreg $0x1FC000  }
0xb4: {  	[dreg:$0x7] =	wrdreg $0x9  }
0xb5: {  	_ =	task.clear_ibuf [dreg:s8], $0x8FFFF;
	_ =	strace $0x90000046  }
0xb6: {  	s29 =	simm.s32 $0x9;
	_ =	strace $0x80000048  }
0xb7: {  	_ =	swait.ge [sflag:s29], $0x1  }
0xb8: {  	[sflag:s29] =	ssyncadd.s32 $0xFFFFFFFF  }
0xb9: {  	_ =	strace $0x90000048  }
0xba: {  	_ =	sfence  }
0xbb: {  	s30 =	sld [smem:$0x0];
	_ =	sdelay $0x2  }
0xbc: {  	s31 =	sshll.u32 s1, $0xD;
	s1 =	sshrl.u32 s1, $0x2  }
0xbd: {  	s3 =	sand.u32 $0x4000, s31;
	s1 =	sadd.s32 s1, s30  }
0xbe: {  	s0 =	sor.u32 s3, s0;
	s1 =	sshll.u32 s1, $0x11  }
0xbf: {  	s0 =	sor.u32 s1, s0  }
0xc0: {  	s0 =	sadd.s32 $0x8F2B, s0  }
0xc1: {  	[sflag:s0] =	ssyncadd.remote.s32 $0x1  }
0xc2: {  	_ =	sfence.sel $0xFFFF  }
0xc3: {  	[dreg:$0x0] =	wrdreg $0xFFFFFFFF;
	(pc) =	sbr.abs _section_cstart, $3  }
0xc4: {  	[dreg:$0x1] =	wrdreg $0xFFFFFFFF  }
0xc5: {  	_ =	task.clear_ibuf [dreg:s8], $0x2FFFF;
	_ =	strace $0x9FFFFFFF  }
0xc6: {  	(tm) =	ssettm $0x7FFFFFFF  }
0xc7: {  	_ =	shalt  }
tec
execute0_lowered:
.L_overlay_start_1:
0x0: {  	(tag) =	ssettag $0x1  }
0x1: {  	s1 =	rddreg [dreg:$0x0]  }
0x2: {  	s0 =	rddreg [dreg:$0x1]  }
0x3: {  	s5 =	rddreg [dreg:$0x2]  }
0x4: {  	s2 =	rddreg [dreg:$0x3]  }
0x5: {  	s3 =	rddreg [dreg:$0x4];
	s4 =	simm.s32 $0x0;
	s6 =	srdreg.scid  }
0x6: {  	[smem:$0x7FF] =	sst s4;
	s6 =	sand.u32 $0x1, s6;
	s7 =	sadd.s32 $0x1E00, s5  }
0x7: {  	s12 =	sadd.s32 $0x1400, s5;
	s5 =	stileid.u32;
	s11 =	smul.u32 $0x138800, s6  }
0x8: {  	_ =	strace $0x80000047;
	s8 =	ssub.s32 $0x2, s6;
	s13 =	smul.u32 $0x2710, s6  }
0x9: {  	s10 =	ssub.s32 $0x9B4, s5;
	s15 =	sor.u32 $0x10, s5;
	s20 =	ssub.s32 $0xA04, s5  }
0xa: {  	s22 =	ssub.s32 $0x9F4, s5;
	s23 =	sor.u32 $0x30, s5;
	[dreg:$0x6] =	wrdreg s10  }
0xb: {  	s24 =	ssub.s32 $0x9E4, s5;
	s25 =	ssub.s32 $0x9D4, s5;
	[dreg:$0x7] =	wrdreg s20  }
0xc: {  	s6 =	smul.u32 $0x4E20, s6;
	s28 =	sor.u32 $0x40, s5;
	[dreg:$0x8] =	wrdreg s22  }
0xd: {  	s29 =	sshll.u32 s5, $0x3;
	s9 =	sshrl.u32 s8, $0x1;
	[dreg:$0x9] =	wrdreg s24  }
0xe: {  	s26 =	sshll.u32 s23, $0xD;
	[dreg:$0xa] =	wrdreg s25;
	s30 =	sshll.u32 s28, $0xD  }
0xf: {  	s8 =	ssub.s32 s8, s9;
	s16 =	sshrl.u32 s11, $0x3;
	s14 =	sshrl.u32 s13, $0x3  }
0x10: {  	s0 =	sadd.s32 s6, s0;
	s6 =	sadd.s32 s30, s2;
	s9 =	sadd.s32 s7, s16  }
0x11: {  	s17 =	sadd.s32 s12, s14;
	s8 =	smax.u32 s8, $0x1;
	s14 =	sshll.u32 s5, $0x6  }
0x12: {  	s16 =	sshll.u32 s15, $0xD;
	s15 =	sshll.u32 s15, $0x6;
	s0 =	sadd.s32 s29, s0  }
0x13: {  	[dreg:$0x14] =	wrdreg s6;
	s29 =	sor.u32 $0x90, s5;
	s9 =	sadd.s32 $0x27000, s9  }
0x14: {  	[dreg:$0xd] =	wrdreg s8;
	s8 =	sshll.u32 s5, $0xD;
	s10 =	sadd.s32 s14, s3  }
0x15: {  	s16 =	sadd.s32 s16, s2;
	s15 =	sadd.s32 s15, s3;
	s30 =	sshll.u32 s29, $0xD  }
0x16: {  	p1 =	sgt.u32 s29, $0x9B;
	s0 =	sadd.s32 $0x180, s0;
	[dreg:$0xb] =	wrdreg s9  }
0x17: {  	s9 =	sadd.s32 $0x4E0, s17;
	s17 =	sor.u32 $0x20, s5;
	[dreg:$0xe] =	wrdreg s16  }
0x18: {  	[dreg:$0xf] =	wrdreg s15;
	s15 =	sshll.u32 s28, $0x6;
	p0 =	sne.s32 @p1 s5, $0xC  }
0x19: {  	[dreg:$0xc] =	wrdreg s9;
	s9 =	sadd.s32 s8, s2;
	s18 =	sshll.u32 s17, $0xD  }
0x1a: {  	s21 =	sshll.u32 s17, $0x6;
	s17 =	sshll.u32 s23, $0x6;
	s8 =	sadd.s32 s8, s11  }
0x1b: {  	s6 =	sadd.s32 s15, s3;
	s23 =	sor.u32 $0x70, s5;
	p0 =	por p0, !p1  }
0x1c: {  	s19 =	sadd.s32 s18, s2;
	s16 =	sadd.s32 s21, s3;
	[dreg:$0x15] =	wrdreg s6  }
0x1d: {  	s31 =	sadd.s32 s17, s3;
	s17 =	sadd.s32 s14, s13;
	[dreg:$0x10] =	wrdreg s19  }
0x1e: {  	s8 =	sshrl.u32 s8, $0x3;
	s24 =	sshll.u32 s23, $0xD;
	[dreg:$0x11] =	wrdreg s16  }
0x1f: {  	s14 =	simm.s32 $0x19;
	s16 =	sadd.s32 s26, s2;
	[dreg:$0x13] =	wrdreg s31  }
0x20: {  	s7 =	sadd.s32 s8, s7;
	s19 =	sor.u32 $0x60, s5;
	s6 =	sshrl.u32 s17, $0x3  }
0x21: {  	s26 =	sor.u32 $0x80, s5;
	s31 =	sshll.u32 s29, $0x6;
	[dreg:$0x12] =	wrdreg s16  }
0x22: {  	[dreg:$0x17] =	wrdreg s7;
	s6 =	sadd.s32 s6, s12;
	s21 =	sshll.u32 s19, $0xD  }
0x23: {  	s22 =	sshll.u32 s19, $0x6;
	s19 =	sadd.s32 $0x2700, s3;
	[dreg:$0x19] =	wrdreg s6  }
0x24: {  	s8 =	ssub.s32 $0x9C4, s5;
	s6 =	sadd.s32 s21, s2;
	[smem:$0x7FD] =	sst s19  }
0x25: {  	s16 =	sor.u32 $0x50, s5;
	[dreg:$0x1a] =	wrdreg s6;
	s6 =	sadd.s32 s22, s3  }
0x26: {  	s7 =	sshll.u32 s23, $0x6;
	[dreg:$0x1b] =	wrdreg s6;
	s6 =	sadd.s32 s24, s2  }
0x27: {  	s25 =	sadd.s32 s7, s3;
	[dreg:$0x1c] =	wrdreg s6;
	s6 =	sshll.u32 s26, $0x6  }
0x28: {  	s28 =	sshll.u32 s26, $0xD;
	[dreg:$0x1d] =	wrdreg s25;
	s6 =	sadd.s32 s6, s3  }
0x29: {  	s12 =	simm.s32 $0x1A;
	[dreg:$0x1f] =	wrdreg s6;
	s6 =	sadd.s32 s30, s2  }
0x2a: {  	s18 =	sshll.u32 s16, $0xD;
	[smem:$0x7F8] =	sst s6;
	s6 =	sadd.s32 s31, s3  }
0x2b: {  	s7 =	sadd.s32 s28, s2;
	[smem:$0x7F9] =	sst s6;
	s6 =	simm.s32 @!p1 $0x0  }
0x2c: {  	s11 =	sshll.u32 s16, $0x6;
	[dreg:$0x1e] =	wrdreg s7;
	s6 =	simm.s32 @p1 $0x1  }
0x2d: {  	s13 =	sadd.s32 s18, s2;
	[smem:$0x7FA] =	sst s6;
	s6 =	simm.s32 @!p0 $0x0  }
0x2e: {  	[dreg:$0x16] =	wrdreg s13;
	s6 =	simm.s32 @p0 $0x1;
	p0 =	sne.s32 s5, $0xC  }
0x2f: {  	s20 =	sadd.s32 s11, s3;
	[smem:$0x7FB] =	sst s6;
	s6 =	simm.s32 @!p0 $0x0  }
0x30: {  	s18 =	sadd.s32 $0x138000, s2;
	[dreg:$0x18] =	wrdreg s20;
	s6 =	simm.s32 @p0 $0x1  }
0x31: {  	v0 =	vimm.f32 $0.0e+00;
	v1 =	vimm.f32 $1.000000000e+00;
	s11 =	simm.s32 $0x300;
	s13 =	simm.s32 $0xC340;
	[smem:$0x7FC] =	sst s6  }
.LBB2_1:
0x32: {  	s15 =	simm.s32 $0x0;
	s16 =	simm.s32 $0x200  }
.LBB2_2:
0x33: {  	p0 =	sne.s32 s16, $0x7E00;
	[tilespmem:s15+$0x370] =	vst v0  }
0x34: {  	[tilespmem:s15+$0x300] =	vst v0  }
0x35: {  	[tilespmem:s15+$0x310] =	vst v0  }
.Ltmp0:
0x36: {  	[tilespmem:s15+$0x320] =	vst v0;
	(pc) =	sbr.rel @p0 .LBB2_2-.Ltmp0, $4  }
0x37: {  	[tilespmem:s15+$0x330] =	vst v0  }
0x38: {  	[tilespmem:s15+$0x340] =	vst v0  }
0x39: {  	[tilespmem:s15+$0x350] =	vst v0  }
0x3a: {  	[tilespmem:s15+$0x360] =	vst v0;
	s15 =	sshra.s32 s16, $0x2;
	s16 =	sadd.s32 $0x200, s16  }
0x3b: {  	[tilespmem:s15+$0x370] =	vst v0  }
0x3c: {  	[tilespmem:s15+$0x300] =	vst v0  }
0x3d: {  	[tilespmem:s15+$0x310] =	vst v0  }
0x3e: {  	[tilespmem:s15+$0x320] =	vst v0  }
0x3f: {  	[tilespmem:s15+$0x330] =	vst v0  }
0x40: {  	[tilespmem:s15+$0x340] =	vst v0  }
0x41: {  	[tilespmem:s15+$0x350] =	vst v0  }
0x42: {  	[tilespmem:s15+$0x360] =	vst v0  }
0x43: {  	[tilespmem:$0xC300] =	vst v1  }
0x44: {  	[tilespmem:$0xC340] =	vst v0  }
0x45: {  	[tilespmem:$0xC310] =	vst v1  }
0x46: {  	[tilespmem:$0xC350] =	vst v0  }
0x47: {  	[tilespmem:$0xC320] =	vst v1  }
0x48: {  	[tilespmem:$0xC360] =	vst v0  }
0x49: {  	[tilespmem:$0xC330] =	vst v1  }
0x4a: {  	[tilespmem:$0xC370] =	vst v0  }
0x4b: {  	[spmem:s9] =	stream.linear.scatter [tilespmem:s11], [sflag:$0x1A], $0x2000, $0x38;
	[tilespmem:$0x1FE78] =	vst v63  }
0x4c: {  	_ =	swait.ge [sflag:s12], $0x2000  }
0x4d: {  	[sflag:s12] =	ssyncset.done $0x0  }
0x4e: {  	[sflag:s12] =	ssyncadd.s32 $0xFFFFE000  }
0x4f: {  	[spmem:s10] =	stream.linear.scatter [tilespmem:s13], [sflag:$0x19], $0x40, $0x38;
	[tilespmem:$0x1FE78] =	vst v63  }
0x50: {  	_ =	swait.ge [sflag:s14], $0x40  }
0x51: {  	[sflag:s14] =	ssyncset.done $0x0  }
0x52: {  	s6 =	rddreg [dreg:$0xe];
	[sflag:s14] =	ssyncadd.s32 $0xFFFFFFC0  }
0x53: {  	[spmem:s6] =	stream.linear.scatter [tilespmem:s11], [sflag:$0x1A], $0x2000, $0x38;
	[tilespmem:$0x1FE78] =	vst v63  }
0x54: {  	_ =	swait.ge [sflag:s12], $0x2000  }
0x55: {  	[sflag:s12] =	ssyncset.done $0x0  }
0x56: {  	s25 =	rddreg [dreg:$0xf];
	[sflag:s12] =	ssyncadd.s32 $0xFFFFE000  }
0x57: {  	[spmem:s25] =	stream.linear.scatter [tilespmem:s13], [sflag:$0x19], $0x40, $0x38;
	[tilespmem:$0x1FE78] =	vst v63  }
0x58: {  	_ =	swait.ge [sflag:s14], $0x40  }
0x59: {  	[sflag:s14] =	ssyncset.done $0x0  }
0x5a: {  	s26 =	rddreg [dreg:$0x10];
	[sflag:s14] =	ssyncadd.s32 $0xFFFFFFC0  }
0x5b: {  	[spmem:s26] =	stream.linear.scatter [tilespmem:s11], [sflag:$0x1A], $0x2000, $0x38;
	[tilespmem:$0x1FE78] =	vst v63  }
0x5c: {  	_ =	swait.ge [sflag:s12], $0x2000  }
0x5d: {  	[sflag:s12] =	ssyncset.done $0x0  }
0x5e: {  	s30 =	rddreg [dreg:$0x11];
	[sflag:s12] =	ssyncadd.s32 $0xFFFFE000  }
0x5f: {  	[spmem:s30] =	stream.linear.scatter [tilespmem:s13], [sflag:$0x19], $0x40, $0x38;
	[tilespmem:$0x1FE78] =	vst v63  }
0x60: {  	_ =	swait.ge [sflag:s14], $0x40  }
0x61: {  	[sflag:s14] =	ssyncset.done $0x0  }
0x62: {  	s31 =	rddreg [dreg:$0x12];
	[sflag:s14] =	ssyncadd.s32 $0xFFFFFFC0  }
0x63: {  	[spmem:s31] =	stream.linear.scatter [tilespmem:s11], [sflag:$0x1A], $0x2000, $0x38;
	[tilespmem:$0x1FE78] =	vst v63  }
0x64: {  	_ =	swait.ge [sflag:s12], $0x2000  }
0x65: {  	[sflag:s12] =	ssyncset.done $0x0  }
0x66: {  	s7 =	rddreg [dreg:$0x13];
	[sflag:s12] =	ssyncadd.s32 $0xFFFFE000  }
0x67: {  	[spmem:s7] =	stream.linear.scatter [tilespmem:s13], [sflag:$0x19], $0x40, $0x38;
	[tilespmem:$0x1FE78] =	vst v63  }
0x68: {  	_ =	swait.ge [sflag:s14], $0x40  }
0x69: {  	[sflag:s14] =	ssyncset.done $0x0  }
0x6a: {  	s15 =	rddreg [dreg:$0x14];
	[sflag:s14] =	ssyncadd.s32 $0xFFFFFFC0  }
0x6b: {  	[spmem:s15] =	stream.linear.scatter [tilespmem:s11], [sflag:$0x1A], $0x2000, $0x38;
	[tilespmem:$0x1FE78] =	vst v63  }
0x6c: {  	_ =	swait.ge [sflag:s12], $0x2000  }
0x6d: {  	[sflag:s12] =	ssyncset.done $0x0  }
0x6e: {  	s16 =	rddreg [dreg:$0x15];
	[sflag:s12] =	ssyncadd.s32 $0xFFFFE000  }
0x6f: {  	[spmem:s16] =	stream.linear.scatter [tilespmem:s13], [sflag:$0x19], $0x40, $0x38;
	[tilespmem:$0x1FE78] =	vst v63  }
0x70: {  	_ =	swait.ge [sflag:s14], $0x40  }
0x71: {  	[sflag:s14] =	ssyncset.done $0x0  }
0x72: {  	s17 =	rddreg [dreg:$0x16];
	[sflag:s14] =	ssyncadd.s32 $0xFFFFFFC0  }
0x73: {  	[spmem:s17] =	stream.linear.scatter [tilespmem:s11], [sflag:$0x1A], $0x2000, $0x38;
	[tilespmem:$0x1FE78] =	vst v63  }
0x74: {  	_ =	swait.ge [sflag:s12], $0x2000  }
0x75: {  	[sflag:s12] =	ssyncset.done $0x0  }
0x76: {  	s20 =	rddreg [dreg:$0x18];
	[sflag:s12] =	ssyncadd.s32 $0xFFFFE000  }
0x77: {  	[spmem:s20] =	stream.linear.scatter [tilespmem:s13], [sflag:$0x19], $0x40, $0x38;
	[tilespmem:$0x1FE78] =	vst v63  }
0x78: {  	_ =	swait.ge [sflag:s14], $0x40  }
0x79: {  	[sflag:s14] =	ssyncset.done $0x0  }
0x7a: {  	s21 =	rddreg [dreg:$0x1a];
	[sflag:s14] =	ssyncadd.s32 $0xFFFFFFC0  }
0x7b: {  	[spmem:s21] =	stream.linear.scatter [tilespmem:s11], [sflag:$0x1A], $0x2000, $0x38;
	[tilespmem:$0x1FE78] =	vst v63  }
0x7c: {  	_ =	swait.ge [sflag:s12], $0x2000  }
0x7d: {  	[sflag:s12] =	ssyncset.done $0x0  }
0x7e: {  	s22 =	rddreg [dreg:$0x1b];
	[sflag:s12] =	ssyncadd.s32 $0xFFFFE000  }
0x7f: {  	[spmem:s22] =	stream.linear.scatter [tilespmem:s13], [sflag:$0x19], $0x40, $0x38;
	[tilespmem:$0x1FE78] =	vst v63  }
0x80: {  	_ =	swait.ge [sflag:s14], $0x40  }
0x81: {  	[sflag:s14] =	ssyncset.done $0x0  }
0x82: {  	s23 =	rddreg [dreg:$0x1c];
	[sflag:s14] =	ssyncadd.s32 $0xFFFFFFC0  }
0x83: {  	[spmem:s23] =	stream.linear.scatter [tilespmem:s11], [sflag:$0x1A], $0x2000, $0x38;
	[tilespmem:$0x1FE78] =	vst v63  }
0x84: {  	_ =	swait.ge [sflag:s12], $0x2000  }
0x85: {  	[sflag:s12] =	ssyncset.done $0x0  }
0x86: {  	s24 =	rddreg [dreg:$0x1d];
	[sflag:s12] =	ssyncadd.s32 $0xFFFFE000  }
0x87: {  	[spmem:s24] =	stream.linear.scatter [tilespmem:s13], [sflag:$0x19], $0x40, $0x38;
	[tilespmem:$0x1FE78] =	vst v63  }
0x88: {  	_ =	swait.ge [sflag:s14], $0x40  }
0x89: {  	[sflag:s14] =	ssyncset.done $0x0  }
0x8a: {  	s25 =	rddreg [dreg:$0x1e];
	[sflag:s14] =	ssyncadd.s32 $0xFFFFFFC0  }
0x8b: {  	[spmem:s25] =	stream.linear.scatter [tilespmem:s11], [sflag:$0x1A], $0x2000, $0x38;
	[tilespmem:$0x1FE78] =	vst v63  }
0x8c: {  	_ =	swait.ge [sflag:s12], $0x2000  }
0x8d: {  	[sflag:s12] =	ssyncset.done $0x0  }
0x8e: {  	s26 =	rddreg [dreg:$0x1f];
	[sflag:s12] =	ssyncadd.s32 $0xFFFFE000  }
0x8f: {  	[spmem:s26] =	stream.linear.scatter [tilespmem:s13], [sflag:$0x19], $0x40, $0x38;
	[tilespmem:$0x1FE78] =	vst v63  }
0x90: {  	_ =	swait.ge [sflag:s14], $0x40  }
0x91: {  	s30 =	sld [smem:$0x7FB];
	_ =	sdelay $0x2  }
0x92: {  	[sflag:s14] =	ssyncset.done $0x0;
	p0 =	seq.s32 s30, $0x1  }
0x93: {  	[sflag:s14] =	ssyncadd.s32 $0xFFFFFFC0;
	s15 =	simm.s32 @!p0 $0x300  }
0x94: {  	[spmem:s18] =	stream.linear.scatter @!p0 [tilespmem:s15], [sflag:$0x19], $0x800, $0x38;
	[tilespmem:$0x1FE78] =	vst v63  }
0x95: {  	s15 =	simm.s32 @!p0 $0x19  }
0x96: {  	_ =	swait.ge @!p0 [sflag:s15], $0x800  }
0x97: {  	[sflag:s15] =	ssyncset.done @!p0 $0x0  }
0x98: {  	s16 =	simm.s32 @!p0 $0xC340;
	[sflag:s15] =	ssyncadd.s32 @!p0 $0xFFFFF800  }
0x99: {  	[spmem:s19] =	stream.linear.scatter @!p0 [tilespmem:s16], [sflag:$0x19], $0x10, $0x38;
	[tilespmem:$0x1FE78] =	vst v63  }
0x9a: {  	_ =	swait.ge @!p0 [sflag:s15], $0x10  }
0x9b: {  	s31 =	sld [smem:$0x7FA];
	_ =	sdelay $0x1  }
0x9c: {  	s6 =	sld [smem:$0x7F8]  }
0x9d: {  	[sflag:s15] =	ssyncset.done @!p0 $0x0;
	p2 =	seq.s32 s31, $0x1  }
0x9e: {  	[sflag:s15] =	ssyncadd.s32 @!p0 $0xFFFFFFF0;
	s15 =	simm.s32 @!p2 $0x300  }
0x9f: {  	[spmem:s6] =	stream.linear.scatter @!p2 [tilespmem:s15], [sflag:$0x1A], $0x2000, $0x38;
	[tilespmem:$0x1FE78] =	vst v63  }
0xa0: {  	s15 =	simm.s32 @!p2 $0x1A  }
0xa1: {  	_ =	swait.ge @!p2 [sflag:s15], $0x2000  }
0xa2: {  	s6 =	sld [smem:$0x7F9]  }
0xa3: {  	[sflag:s15] =	ssyncset.done @!p2 $0x0  }
0xa4: {  	[sflag:s15] =	ssyncadd.s32 @!p2 $0xFFFFE000;
	s15 =	simm.s32 @!p2 $0xC340  }
0xa5: {  	[spmem:s6] =	stream.linear.scatter @!p2 [tilespmem:s15], [sflag:$0x19], $0x40, $0x38;
	[tilespmem:$0x1FE78] =	vst v63  }
0xa6: {  	s15 =	simm.s32 @!p2 $0x19  }
0xa7: {  	p1 =	por $0x1, $0x1;
	_ =	swait.ge @!p2 [sflag:s15], $0x40  }
0xa8: {  	p0 =	sle.s32 @!p1 s8, $0xFFFFFFA0;
	[sflag:s15] =	ssyncset.done @!p2 $0x0  }
0xa9: {  	p0 =	por p0, p1;
	[sflag:s15] =	ssyncadd.s32 @!p2 $0xFFFFFFC0  }
0xaa: {  	s15 =	simm.s32 @!p0 $0xD;
	[bflag:$0x0] =	sbarrier.arrive $0xFFFF  }
0xab: {  	_ =	swait.ge @!p0 [sflag:s15], $0x2000  }
0xac: {  	[sflag:s15] =	ssyncset.done @!p0 $0x0  }
0xad: {  	[sflag:s15] =	ssyncadd.s32 @!p0 $0xFFFFE000;
	s15 =	simm.s32 @!p0 $0x13  }
0xae: {  	_ =	swait.ge @!p0 [sflag:s15], $0x40  }
0xaf: {  	s16 =	rddreg [dreg:$0x6]  }
0xb0: {  	p3 =	sle.s32 @!p1 s16, $0xFFFFFFA0  }
0xb1: {  	[sflag:s15] =	ssyncset.done @!p0 $0x0;
	p3 =	por p3, p1  }
0xb2: {  	[sflag:s15] =	ssyncadd.s32 @!p0 $0xFFFFFFC0;
	s15 =	simm.s32 @!p3 $0xE  }
0xb3: {  	_ =	swait.ge @!p3 [sflag:s15], $0x2000  }
0xb4: {  	[sflag:s15] =	ssyncset.done @!p3 $0x0  }
0xb5: {  	s16 =	simm.s32 @!p3 $0x14;
	[sflag:s15] =	ssyncadd.s32 @!p3 $0xFFFFE000  }
0xb6: {  	_ =	swait.ge @!p3 [sflag:s16], $0x40  }
0xb7: {  	s15 =	rddreg [dreg:$0x7]  }
0xb8: {  	p0 =	sle.u32 @!p1 s15, $0x0  }
0xb9: {  	[sflag:s16] =	ssyncset.done @!p3 $0x0;
	p0 =	por p0, p1  }
0xba: {  	[sflag:s16] =	ssyncadd.s32 @!p3 $0xFFFFFFC0;
	s15 =	simm.s32 @!p0 $0xF  }
0xbb: {  	p4 =	sle.u32 s8, $0x0;
	p5 =	sle.u32 s8, $0x10;
	_ =	swait.ge @!p0 [sflag:s15], $0x2000  }
0xbc: {  	s7 =	smov.u32 s18;
	s17 =	simm.s32 @!p4 $0x40;
	[sflag:s15] =	ssyncset.done @!p0 $0x0  }
0xbd: {  	s21 =	sadd.s32 @!p5 $0xFFFFFF00, s0;
	s19 =	simm.s32 @!p0 $0x15;
	[sflag:s15] =	ssyncadd.s32 @!p0 $0xFFFFE000  }
0xbe: {  	s23 =	simm.s32 @!p5 $0x40;
	s24 =	simm.s32 @!p5 $0x4E200;
	_ =	swait.ge @!p0 [sflag:s19], $0x40  }
0xbf: {  	s18 =	simm.s32 @!p4 $0x4E200;
	s16 =	sadd.s32 @!p4 $0xFFFFFE80, s0;
	[sflag:s19] =	ssyncset.done @!p0 $0x0  }
0xc0: {  	p3 =	sle.u32 s8, $0x20;
	s15 =	simm.s32 @!p4 $0x0;
	[sflag:s19] =	ssyncadd.s32 @!p0 $0xFFFFFFC0  }
0xc1: {  	[tilespmem:s15], [sflag:$0x1] =	stream.strided.gather @!p4 [hbm4b:s16+s17], $0x80, s18, s17, $0x38;
	[tilespmem:$0x1FE78] =	vst v63  }
0xc2: {  	s25 =	simm.s32 @!p3 $0x4E200;
	s19 =	simm.s32 @!p4 $0x1;
	s16 =	simm.s32 @!p5 $0x80  }
0xc3: {  	[tilespmem:s16], [sflag:$0x2] =	stream.strided.gather @!p5 [hbm4b:s21+s23], $0x80, s24, s23, $0x38;
	[tilespmem:$0x1FE78] =	vst v63  }
0xc4: {  	s18 =	simm.s32 @!p3 $0x100;
	s21 =	sadd.s32 @!p3 $0xFFFFFF80, s0;
	s24 =	simm.s32 @!p3 $0x40  }
0xc5: {  	[tilespmem:s18], [sflag:$0x3] =	stream.strided.gather @!p3 [hbm4b:s21+s24], $0x80, s25, s24, $0x38;
	[tilespmem:$0x1FE78] =	vst v63  }
0xc6: {  	_ =	swait.ge @!p4 [sflag:s19], $0x80  }
0xc7: {  	[sflag:s19] =	ssyncset.done @!p4 $0x0  }
0xc8: {  	s21 =	simm.s32 @!p5 $0x2;
	[sflag:s19] =	ssyncadd.s32 @!p4 $0xFFFFFF80;
	s19 =	simm.s32 @!p4 $0x300  }
0xc9: {  	[tilespmem:s19], [sflag:$0x7] =	stream.indirect.gather @!p4 [hbm4b:s1+s17], $0x80, s15, s17, $0xb8;
	[tilespmem:$0x1FE78] =	vst v63  }
0xca: {  	_ =	swait.ge @!p5 [sflag:s21], $0x80  }
0xcb: {  	[sflag:s21] =	ssyncset.done @!p5 $0x0  }
0xcc: {  	s15 =	simm.s32 @!p5 $0x2300;
	[sflag:s21] =	ssyncadd.s32 @!p5 $0xFFFFFF80;
	s21 =	simm.s32 @!p3 $0x3  }
0xcd: {  	[tilespmem:s15], [sflag:$0x8] =	stream.indirect.gather @!p5 [hbm4b:s1+s23], $0x80, s16, s23, $0xb8;
	[tilespmem:$0x1FE78] =	vst v63  }
0xce: {  	_ =	swait.ge @!p3 [sflag:s21], $0x80  }
0xcf: {  	[sflag:s21] =	ssyncset.done @!p3 $0x0  }
0xd0: {  	s16 =	simm.s32 @!p3 $0x4300;
	[sflag:s21] =	ssyncadd.s32 @!p3 $0xFFFFFF80;
	s21 =	simm.s32 @!p4 $0x7  }
0xd1: {  	[tilespmem:s16], [sflag:$0x9] =	stream.indirect.gather @!p3 [hbm4b:s1+s24], $0x80, s18, s24, $0xb8;
	[tilespmem:$0x1FE78] =	vst v63  }
0xd2: {  	_ =	swait.ge @!p4 [sflag:s21], $0x2000  }
0xd3: {  	[sflag:s21] =	ssyncset.done @!p4 $0x0  }
0xd4: {  	[sflag:s21] =	ssyncadd.s32 @!p4 $0xFFFFE000  }
0xd5: {  	[spmem:s2] =	stream.indirect.scatter.add.f32 @!p4 [tilespmem:s19], [sflag:$0xD], $0x80, s17, s17, $0xb8;
	[tilespmem:$0x1FE78] =	vst v63  }
0xd6: {  	s18 =	simm.s32 @!p4 $0xC300;
	s19 =	simm.s32 @!p5 $0x8  }
0xd7: {  	[spmem:s3] =	stream.indirect.scatter.add.f32 @!p4 [tilespmem:s18], [sflag:$0x13], $0x1, s17, s17, $0xb8;
	[tilespmem:$0x1FE78] =	vst v63  }
0xd8: {  	_ =	swait.ge @!p5 [sflag:s19], $0x2000  }
0xd9: {  	[sflag:s19] =	ssyncset.done @!p5 $0x0  }
0xda: {  	s17 =	simm.s32 @!p5 $0xC0;
	[sflag:s19] =	ssyncadd.s32 @!p5 $0xFFFFE000  }
0xdb: {  	[spmem:s2] =	stream.indirect.scatter.add.f32 @!p5 [tilespmem:s15], [sflag:$0xE], $0x80, s17, s23, $0xb8;
	[tilespmem:$0x1FE78] =	vst v63  }
0xdc: {  	s18 =	simm.s32 @!p3 $0x9;
	s15 =	simm.s32 @!p5 $0xC300  }
0xdd: {  	[spmem:s3] =	stream.indirect.scatter.add.f32 @!p5 [tilespmem:s15], [sflag:$0x14], $0x1, s17, s23, $0xb8;
	[tilespmem:$0x1FE78] =	vst v63  }
0xde: {  	_ =	swait.ge @!p3 [sflag:s18], $0x2000  }
0xdf: {  	[sflag:s18] =	ssyncset.done @!p3 $0x0;
	s15 =	rddreg [dreg:$0x8]  }
0xe0: {  	s17 =	simm.s32 @!p3 $0x140;
	[sflag:s18] =	ssyncadd.s32 @!p3 $0xFFFFE000;
	p0 =	sle.u32 @!p1 s15, $0x0  }
0xe1: {  	[spmem:s2] =	stream.indirect.scatter.add.f32 @!p3 [tilespmem:s16], [sflag:$0xF], $0x80, s17, s24, $0xb8;
	[tilespmem:$0x1FE78] =	vst v63  }
0xe2: {  	p0 =	por p0, p1  }
0xe3: {  	s16 =	simm.s32 @!p3 $0xC300;
	s15 =	simm.s32 @!p0 $0x10  }
0xe4: {  	[spmem:s3] =	stream.indirect.scatter.add.f32 @!p3 [tilespmem:s16], [sflag:$0x15], $0x1, s17, s24, $0xb8;
	[tilespmem:$0x1FE78] =	vst v63  }
0xe5: {  	_ =	swait.ge @!p0 [sflag:s15], $0x2000  }
0xe6: {  	[sflag:s15] =	ssyncset.done @!p0 $0x0  }
0xe7: {  	[sflag:s15] =	ssyncadd.s32 @!p0 $0xFFFFE000;
	s15 =	simm.s32 @!p0 $0x16  }
0xe8: {  	_ =	swait.ge @!p0 [sflag:s15], $0x40  }
0xe9: {  	s16 =	rddreg [dreg:$0x9]  }
0xea: {  	p3 =	sle.u32 @!p1 s16, $0x0  }
0xeb: {  	[sflag:s15] =	ssyncset.done @!p0 $0x0;
	p3 =	por p3, p1  }
0xec: {  	[sflag:s15] =	ssyncadd.s32 @!p0 $0xFFFFFFC0;
	s15 =	simm.s32 @!p3 $0x11  }
0xed: {  	_ =	swait.ge @!p3 [sflag:s15], $0x2000  }
0xee: {  	[sflag:s15] =	ssyncset.done @!p3 $0x0  }
0xef: {  	s16 =	simm.s32 @!p3 $0x17;
	[sflag:s15] =	ssyncadd.s32 @!p3 $0xFFFFE000  }
0xf0: {  	p6 =	sgt.u32 s8, $0x30;
	p5 =	por $0x1, $0x1;
	_ =	swait.ge @!p3 [sflag:s16], $0x40  }
0xf1: {  	p4 =	por !p5, !p6;
	s15 =	rddreg [dreg:$0xa]  }
0xf2: {  	p2 =	sgt.u32 s8, $0x40;
	p6 =	por !p4, !p4;
	p0 =	sle.u32 @!p1 s15, $0x0  }
0xf3: {  	s26 =	simm.s32 @p6 $0x180;
	[sflag:s16] =	ssyncset.done @!p3 $0x0;
	p0 =	por p0, p1  }
0xf4: {  	s29 =	simm.s32 @p6 $0x4;
	[sflag:s16] =	ssyncadd.s32 @!p3 $0xFFFFFFC0;
	s15 =	simm.s32 @!p0 $0x12  }
0xf5: {  	s18 =	simm.s32 $0x110;
	s24 =	simm.s32 @p6 $0x40;
	_ =	swait.ge @!p0 [sflag:s15], $0x2000  }
0xf6: {  	s17 =	simm.s32 $0xB0;
	p3 =	sgt.u32 s8, $0x50;
	[sflag:s15] =	ssyncset.done @!p0 $0x0  }
0xf7: {  	p1 =	por !p5, !p3;
	[sflag:s15] =	ssyncadd.s32 @!p0 $0xFFFFE000;
	s15 =	simm.s32 @!p0 $0x18  }
0xf8: {  	p3 =	por !p5, !p2;
	p5 =	por !p1, !p1;
	_ =	swait.ge @!p0 [sflag:s15], $0x40  }
0xf9: {  	p1 =	por !p3, !p3;
	s25 =	simm.s32 @p5 $0x280;
	[sflag:s15] =	ssyncset.done @!p0 $0x0  }
0xfa: {  	s16 =	simm.s32 @p1 $0x4E200;
	[sflag:s15] =	ssyncadd.s32 @!p0 $0xFFFFFFC0;
	s15 =	simm.s32 @p6 $0x4E200  }
0xfb: {  	[tilespmem:s26], [sflag:$0x4] =	stream.strided.gather @p6 [hbm4b:s0+s24], $0x80, s15, s24, $0x38;
	[tilespmem:$0x1FE78] =	vst v63  }
0xfc: {  	s21 =	simm.s32 @p1 $0x40;
	s28 =	simm.s32 @p1 $0x200;
	s15 =	sadd.s32 @p1 $0x80, s0  }
0xfd: {  	[tilespmem:s28], [sflag:$0x5] =	stream.strided.gather @p1 [hbm4b:s15+s21], $0x80, s16, s21, $0x38;
	[tilespmem:$0x1FE78] =	vst v63  }
0xfe: {  	s23 =	simm.s32 @p5 $0x40;
	s15 =	sadd.s32 @p5 $0x100, s0;
	s16 =	simm.s32 @p5 $0x4E200  }
0xff: {  	[tilespmem:s25], [sflag:$0x6] =	stream.strided.gather @p5 [hbm4b:s15+s23], $0x80, s16, s23, $0x38;
	[tilespmem:$0x1FE78] =	vst v63  }
0x100: {  	s16 =	simm.s32 $0x1;
	s15 =	sadd.s32 $0x300, s0;
	_ =	swait.ge @p6 [sflag:s29], $0x80  }
.LBB2_4:
0x101: {  	[sflag:s29] =	ssyncset.done @p6 $0x0  }
0x102: {  	s30 =	simm.s32 @p1 $0x5;
	[sflag:s29] =	ssyncadd.s32 @p6 $0xFFFFFF80;
	s29 =	simm.s32 @p6 $0x6300  }
0x103: {  	[tilespmem:s29], [sflag:$0xA] =	stream.indirect.gather @p6 [hbm4b:s1+s24], $0x80, s26, s24, $0xb8;
	[tilespmem:$0x1FE78] =	vst v63  }
0x104: {  	_ =	swait.ge @p1 [sflag:s30], $0x80  }
0x105: {  	[sflag:s30] =	ssyncset.done @p1 $0x0  }
0x106: {  	s26 =	simm.s32 @p1 $0x8300;
	[sflag:s30] =	ssyncadd.s32 @p1 $0xFFFFFF80;
	s30 =	simm.s32 @p5 $0x6  }
0x107: {  	[tilespmem:s26], [sflag:$0xB] =	stream.indirect.gather @p1 [hbm4b:s1+s21], $0x80, s28, s21, $0xb8;
	[tilespmem:$0x1FE78] =	vst v63  }
0x108: {  	_ =	swait.ge @p5 [sflag:s30], $0x80  }
0x109: {  	[sflag:s30] =	ssyncset.done @p5 $0x0  }
0x10a: {  	s28 =	simm.s32 @p5 $0xA300;
	[sflag:s30] =	ssyncadd.s32 @p5 $0xFFFFFF80;
	s30 =	simm.s32 @p6 $0xA  }
0x10b: {  	[tilespmem:s28], [sflag:$0xC] =	stream.indirect.gather @p5 [hbm4b:s1+s23], $0x80, s25, s23, $0xb8;
	[tilespmem:$0x1FE78] =	vst v63  }
0x10c: {  	_ =	swait.ge @p6 [sflag:s30], $0x2000  }
0x10d: {  	[sflag:s30] =	ssyncset.done @p6 $0x0  }
0x10e: {  	s25 =	simm.s32 @p6 $0x1C0;
	[sflag:s30] =	ssyncadd.s32 @p6 $0xFFFFE000  }
0x10f: {  	[spmem:s2] =	stream.indirect.scatter.add.f32 @p6 [tilespmem:s29], [sflag:$0x10], $0x80, s25, s24, $0xb8;
	[tilespmem:$0x1FE78] =	vst v63  }
0x110: {  	s30 =	simm.s32 @p1 $0xB;
	s29 =	simm.s32 @p6 $0xC300  }
0x111: {  	[spmem:s3] =	stream.indirect.scatter.add.f32 @p6 [tilespmem:s29], [sflag:$0x16], $0x1, s25, s24, $0xb8;
	[tilespmem:$0x1FE78] =	vst v63  }
0x112: {  	_ =	swait.ge @p1 [sflag:s30], $0x2000  }
0x113: {  	[sflag:s30] =	ssyncset.done @p1 $0x0  }
0x114: {  	s24 =	simm.s32 @p1 $0x240;
	[sflag:s30] =	ssyncadd.s32 @p1 $0xFFFFE000  }
0x115: {  	[spmem:s2] =	stream.indirect.scatter.add.f32 @p1 [tilespmem:s26], [sflag:$0x11], $0x80, s24, s21, $0xb8;
	[tilespmem:$0x1FE78] =	vst v63  }
0x116: {  	s25 =	simm.s32 @p1 $0xC300;
	s26 =	simm.s32 @p5 $0xC  }
0x117: {  	[spmem:s3] =	stream.indirect.scatter.add.f32 @p1 [tilespmem:s25], [sflag:$0x17], $0x1, s24, s21, $0xb8;
	[tilespmem:$0x1FE78] =	vst v63  }
0x118: {  	p4 =	seq.s32 s17, $0x50;
	s29 =	sadd.s32 $0xFFFFFF50, s17;
	_ =	swait.ge @p5 [sflag:s26], $0x2000  }
0x119: {  	p0 =	sge.s32 @!p4 s29, s8;
	[sflag:s26] =	ssyncset.done @p5 $0x0  }
0x11a: {  	p6 =	por p0, p4;
	s24 =	simm.s32 @p5 $0x2C0;
	[sflag:s26] =	ssyncadd.s32 @p5 $0xFFFFE000  }
0x11b: {  	[spmem:s2] =	stream.indirect.scatter.add.f32 @p5 [tilespmem:s28], [sflag:$0x12], $0x80, s24, s23, $0xb8;
	[tilespmem:$0x1FE78] =	vst v63  }
0x11c: {  	s25 =	simm.s32 @p5 $0xC300;
	s28 =	simm.s32 @!p6 $0xD  }
0x11d: {  	[spmem:s3] =	stream.indirect.scatter.add.f32 @p5 [tilespmem:s25], [sflag:$0x18], $0x1, s24, s23, $0xb8;
	[tilespmem:$0x1FE78] =	vst v63  }
0x11e: {  	_ =	swait.ge @!p6 [sflag:s28], $0x2000  }
0x11f: {  	[sflag:s28] =	ssyncset.done @!p6 $0x0  }
0x120: {  	[sflag:s28] =	ssyncadd.s32 @!p6 $0xFFFFE000;
	s28 =	simm.s32 @!p6 $0x13  }
0x121: {  	_ =	swait.ge @!p6 [sflag:s28], $0x40  }
0x122: {  	s31 =	rddreg [dreg:$0x6]  }
0x123: {  	p0 =	sge.s32 @!p4 s29, s31  }
0x124: {  	[sflag:s28] =	ssyncset.done @!p6 $0x0;
	p0 =	por p0, p4  }
0x125: {  	[sflag:s28] =	ssyncadd.s32 @!p6 $0xFFFFFFC0;
	s31 =	simm.s32 @!p0 $0xE  }
0x126: {  	_ =	swait.ge @!p0 [sflag:s31], $0x2000  }
0x127: {  	s22 =	sadd.s32 $0xFFFFFFC0, s17;
	[sflag:s31] =	ssyncset.done @!p0 $0x0  }
0x128: {  	p5 =	sge.u32 s22, s8;
	s22 =	simm.s32 @!p0 $0x14;
	[sflag:s31] =	ssyncadd.s32 @!p0 $0xFFFFE000  }
0x129: {  	_ =	swait.ge @!p0 [sflag:s22], $0x40  }
0x12a: {  	s21 =	sadd.s32 $0xFFFFFFB0, s17;
	[sflag:s22] =	ssyncset.done @!p0 $0x0;
	s6 =	rddreg [dreg:$0x7]  }
0x12b: {  	[sflag:s22] =	ssyncadd.s32 @!p0 $0xFFFFFFC0;
	p0 =	sge.u32 @!p4 s21, s6  }
0x12c: {  	p0 =	por p0, p4  }
0x12d: {  	s6 =	simm.s32 @!p0 $0xF  }
0x12e: {  	p1 =	sge.u32 s21, s8;
	_ =	swait.ge @!p0 [sflag:s6], $0x2000  }
0x12f: {  	s30 =	simm.s32 @!p1 $0x4E200;
	s26 =	sadd.s32 @!p1 $0xFFFFFE80, s15;
	[sflag:s6] =	ssyncset.done @!p0 $0x0  }
0x130: {  	s23 =	simm.s32 @!p1 $0x40;
	s22 =	simm.s32 @!p0 $0x15;
	[sflag:s6] =	ssyncadd.s32 @!p0 $0xFFFFE000  }
0x131: {  	s25 =	simm.s32 @!p1 $0x0;
	s20 =	sadd.s32 @!p5 $0xFFFFFF00, s15;
	_ =	swait.ge @!p0 [sflag:s22], $0x40  }
0x132: {  	s24 =	simm.s32 @!p5 $0x40;
	s31 =	sadd.s32 $0xFFFFFFD0, s17;
	[sflag:s22] =	ssyncset.done @!p0 $0x0  }
0x133: {  	s29 =	simm.s32 @!p5 $0x4E200;
	p6 =	sge.u32 s31, s8;
	[sflag:s22] =	ssyncadd.s32 @!p0 $0xFFFFFFC0  }
0x134: {  	[tilespmem:s25], [sflag:$0x1] =	stream.strided.gather @!p1 [hbm4b:s26+s23], $0x80, s30, s23, $0x38;
	[tilespmem:$0x1FE78] =	vst v63  }
0x135: {  	s28 =	simm.s32 @!p5 $0x80;
	s6 =	simm.s32 @!p6 $0x100;
	s22 =	simm.s32 @!p1 $0x1  }
0x136: {  	[tilespmem:s28], [sflag:$0x2] =	stream.strided.gather @!p5 [hbm4b:s20+s24], $0x80, s29, s24, $0x38;
	[tilespmem:$0x1FE78] =	vst v63  }
0x137: {  	s26 =	simm.s32 @!p6 $0x40;
	s20 =	sadd.s32 @!p6 $0xFFFFFF80, s15;
	s29 =	simm.s32 @!p6 $0x4E200  }
0x138: {  	[tilespmem:s6], [sflag:$0x3] =	stream.strided.gather @!p6 [hbm4b:s20+s26], $0x80, s29, s26, $0x38;
	[tilespmem:$0x1FE78] =	vst v63  }
0x139: {  	_ =	swait.ge @!p1 [sflag:s22], $0x80  }
0x13a: {  	[sflag:s22] =	ssyncset.done @!p1 $0x0  }
0x13b: {  	s20 =	simm.s32 @!p1 $0x300;
	[sflag:s22] =	ssyncadd.s32 @!p1 $0xFFFFFF80;
	s22 =	simm.s32 @!p5 $0x2  }
0x13c: {  	[tilespmem:s20], [sflag:$0x7] =	stream.indirect.gather @!p1 [hbm4b:s1+s23], $0x80, s25, s23, $0xb8;
	[tilespmem:$0x1FE78] =	vst v63  }
0x13d: {  	_ =	swait.ge @!p5 [sflag:s22], $0x80  }
0x13e: {  	[sflag:s22] =	ssyncset.done @!p5 $0x0  }
0x13f: {  	s25 =	simm.s32 @!p6 $0x3;
	[sflag:s22] =	ssyncadd.s32 @!p5 $0xFFFFFF80;
	s22 =	simm.s32 @!p5 $0x2300  }
0x140: {  	[tilespmem:s22], [sflag:$0x8] =	stream.indirect.gather @!p5 [hbm4b:s1+s24], $0x80, s28, s24, $0xb8;
	[tilespmem:$0x1FE78] =	vst v63  }
0x141: {  	_ =	swait.ge @!p6 [sflag:s25], $0x80  }
0x142: {  	[sflag:s25] =	ssyncset.done @!p6 $0x0  }
0x143: {  	s28 =	simm.s32 @!p1 $0x7;
	[sflag:s25] =	ssyncadd.s32 @!p6 $0xFFFFFF80;
	s25 =	simm.s32 @!p6 $0x4300  }
0x144: {  	[tilespmem:s25], [sflag:$0x9] =	stream.indirect.gather @!p6 [hbm4b:s1+s26], $0x80, s6, s26, $0xb8;
	[tilespmem:$0x1FE78] =	vst v63  }
0x145: {  	_ =	swait.ge @!p1 [sflag:s28], $0x2000  }
0x146: {  	[sflag:s28] =	ssyncset.done @!p1 $0x0  }
0x147: {  	[sflag:s28] =	ssyncadd.s32 @!p1 $0xFFFFE000  }
0x148: {  	[spmem:s2] =	stream.indirect.scatter.add.f32 @!p1 [tilespmem:s20], [sflag:$0xD], $0x80, s23, s23, $0xb8;
	[tilespmem:$0x1FE78] =	vst v63  }
0x149: {  	s6 =	simm.s32 @!p1 $0xC300;
	s20 =	simm.s32 @!p5 $0x8  }
0x14a: {  	[spmem:s3] =	stream.indirect.scatter.add.f32 @!p1 [tilespmem:s6], [sflag:$0x13], $0x1, s23, s23, $0xb8;
	[tilespmem:$0x1FE78] =	vst v63  }
0x14b: {  	_ =	swait.ge @!p5 [sflag:s20], $0x2000  }
0x14c: {  	[sflag:s20] =	ssyncset.done @!p5 $0x0  }
0x14d: {  	s6 =	simm.s32 @!p5 $0xC0;
	[sflag:s20] =	ssyncadd.s32 @!p5 $0xFFFFE000  }
0x14e: {  	[spmem:s2] =	stream.indirect.scatter.add.f32 @!p5 [tilespmem:s22], [sflag:$0xE], $0x80, s6, s24, $0xb8;
	[tilespmem:$0x1FE78] =	vst v63  }
0x14f: {  	s20 =	simm.s32 @!p5 $0xC300;
	s22 =	simm.s32 @!p6 $0x9  }
0x150: {  	[spmem:s3] =	stream.indirect.scatter.add.f32 @!p5 [tilespmem:s20], [sflag:$0x14], $0x1, s6, s24, $0xb8;
	[tilespmem:$0x1FE78] =	vst v63  }
0x151: {  	_ =	swait.ge @!p6 [sflag:s22], $0x2000  }
0x152: {  	[sflag:s22] =	ssyncset.done @!p6 $0x0;
	s6 =	rddreg [dreg:$0x8]  }
0x153: {  	s20 =	simm.s32 @!p6 $0x140;
	[sflag:s22] =	ssyncadd.s32 @!p6 $0xFFFFE000;
	p0 =	sge.u32 @!p4 s21, s6  }
0x154: {  	[spmem:s2] =	stream.indirect.scatter.add.f32 @!p6 [tilespmem:s25], [sflag:$0xF], $0x80, s20, s26, $0xb8;
	[tilespmem:$0x1FE78] =	vst v63  }
0x155: {  	p0 =	por p0, p4  }
0x156: {  	s22 =	simm.s32 @!p6 $0xC300;
	s6 =	simm.s32 @!p0 $0x10  }
0x157: {  	[spmem:s3] =	stream.indirect.scatter.add.f32 @!p6 [tilespmem:s22], [sflag:$0x15], $0x1, s20, s26, $0xb8;
	[tilespmem:$0x1FE78] =	vst v63  }
0x158: {  	_ =	swait.ge @!p0 [sflag:s6], $0x2000  }
0x159: {  	[sflag:s6] =	ssyncset.done @!p0 $0x0  }
0x15a: {  	[sflag:s6] =	ssyncadd.s32 @!p0 $0xFFFFE000;
	s6 =	simm.s32 @!p0 $0x16  }
0x15b: {  	_ =	swait.ge @!p0 [sflag:s6], $0x40  }
0x15c: {  	[sflag:s6] =	ssyncset.done @!p0 $0x0;
	s20 =	rddreg [dreg:$0x9]  }
0x15d: {  	[sflag:s6] =	ssyncadd.s32 @!p0 $0xFFFFFFC0;
	p0 =	sge.u32 @!p4 s21, s20  }
0x15e: {  	p1 =	por p0, p4  }
0x15f: {  	s6 =	simm.s32 @!p1 $0x11  }
0x160: {  	s19 =	smov.u32 s18;
	s18 =	sadd.s32 $0x60, s18;
	_ =	swait.ge @!p1 [sflag:s6], $0x2000  }
0x161: {  	s16 =	sadd.s32 $0x2, s16;
	p3 =	sne.s32 s18, $0xAD0;
	[sflag:s6] =	ssyncset.done @!p1 $0x0  }
0x162: {  	s30 =	sadd.s32 $0xFFFFFFE0, s17;
	s20 =	simm.s32 @!p1 $0x17;
	[sflag:s6] =	ssyncadd.s32 @!p1 $0xFFFFE000  }
0x163: {  	s31 =	sadd.s32 $0xFFFFFFF0, s17;
	p2 =	slt.u32 s30, s8;
	_ =	swait.ge @!p1 [sflag:s20], $0x40  }
0x164: {  	p5 =	slt.u32 s17, s8;
	s6 =	rddreg [dreg:$0xa];
	[sflag:s20] =	ssyncset.done @!p1 $0x0  }
0x165: {  	p0 =	slt.u32 s16, $0x35;
	[sflag:s20] =	ssyncadd.s32 @!p1 $0xFFFFFFC0;
	p1 =	sge.u32 @!p4 s21, s6  }
0x166: {  	s17 =	smov.u32 s19;
	p6 =	por !p0, !p2;
	p4 =	por p1, p4  }
0x167: {  	p2 =	slt.u32 s31, s8;
	p5 =	por !p0, !p5;
	s6 =	simm.s32 @!p4 $0x12  }
0x168: {  	p6 =	por !p6, !p6;
	p0 =	por !p0, !p2;
	_ =	swait.ge @!p4 [sflag:s6], $0x2000  }
0x169: {  	p5 =	por !p5, !p5;
	s24 =	simm.s32 @p6 $0x40;
	[sflag:s6] =	ssyncset.done @!p4 $0x0  }
0x16a: {  	s26 =	simm.s32 @p6 $0x180;
	[sflag:s6] =	ssyncadd.s32 @!p4 $0xFFFFE000;
	s6 =	simm.s32 @!p4 $0x18  }
0x16b: {  	s25 =	simm.s32 @p5 $0x280;
	s29 =	simm.s32 @p6 $0x4;
	_ =	swait.ge @!p4 [sflag:s6], $0x40  }
0x16c: {  	s20 =	simm.s32 @p6 $0x4E200;
	p1 =	por !p0, !p0;
	[sflag:s6] =	ssyncset.done @!p4 $0x0  }
0x16d: {  	s19 =	sadd.s32 @p1 $0x80, s15;
	s21 =	simm.s32 @p1 $0x40;
	[sflag:s6] =	ssyncadd.s32 @!p4 $0xFFFFFFC0  }
0x16e: {  	[tilespmem:s26], [sflag:$0x4] =	stream.strided.gather @p6 [hbm4b:s15+s24], $0x80, s20, s24, $0x38;
	[tilespmem:$0x1FE78] =	vst v63  }
.Ltmp1:
0x16f: {  	s28 =	simm.s32 @p1 $0x200;
	s6 =	simm.s32 @p1 $0x4E200;
	(pc) =	sbr.rel @p3 .LBB2_4-.Ltmp1, $4  }
0x170: {  	[tilespmem:s28], [sflag:$0x5] =	stream.strided.gather @p1 [hbm4b:s19+s21], $0x80, s6, s21, $0x38;
	[tilespmem:$0x1FE78] =	vst v63  }
0x171: {  	s23 =	simm.s32 @p5 $0x40;
	s6 =	sadd.s32 @p5 $0x100, s15;
	s19 =	simm.s32 @p5 $0x4E200  }
0x172: {  	[tilespmem:s25], [sflag:$0x6] =	stream.strided.gather @p5 [hbm4b:s6+s23], $0x80, s19, s23, $0x38;
	[tilespmem:$0x1FE78] =	vst v63  }
0x173: {  	s15 =	sadd.s32 $0x300, s15;
	_ =	swait.ge @p6 [sflag:s29], $0x80  }
0x174: {  	[sflag:s29] =	ssyncset.done @p6 $0x0  }
0x175: {  	s6 =	simm.s32 @p6 $0x6300;
	s18 =	simm.s32 @p1 $0x5;
	[sflag:s29] =	ssyncadd.s32 @p6 $0xFFFFFF80  }
0x176: {  	[tilespmem:s6], [sflag:$0xA] =	stream.indirect.gather @p6 [hbm4b:s1+s24], $0x80, s26, s24, $0xb8;
	[tilespmem:$0x1FE78] =	vst v63  }
0x177: {  	_ =	swait.ge @p1 [sflag:s18], $0x80  }
0x178: {  	[sflag:s18] =	ssyncset.done @p1 $0x0  }
0x179: {  	s19 =	simm.s32 @p5 $0x6;
	[sflag:s18] =	ssyncadd.s32 @p1 $0xFFFFFF80;
	s18 =	simm.s32 @p1 $0x8300  }
0x17a: {  	[tilespmem:s18], [sflag:$0xB] =	stream.indirect.gather @p1 [hbm4b:s1+s21], $0x80, s28, s21, $0xb8;
	[tilespmem:$0x1FE78] =	vst v63  }
0x17b: {  	_ =	swait.ge @p5 [sflag:s19], $0x80  }
0x17c: {  	[sflag:s19] =	ssyncset.done @p5 $0x0  }
0x17d: {  	s20 =	simm.s32 @p6 $0xA;
	[sflag:s19] =	ssyncadd.s32 @p5 $0xFFFFFF80;
	s19 =	simm.s32 @p5 $0xA300  }
0x17e: {  	[tilespmem:s19], [sflag:$0xC] =	stream.indirect.gather @p5 [hbm4b:s1+s23], $0x80, s25, s23, $0xb8;
	[tilespmem:$0x1FE78] =	vst v63  }
0x17f: {  	_ =	swait.ge @p6 [sflag:s20], $0x2000  }
0x180: {  	[sflag:s20] =	ssyncset.done @p6 $0x0  }
0x181: {  	[sflag:s20] =	ssyncadd.s32 @p6 $0xFFFFE000;
	s20 =	simm.s32 @p6 $0x1C0  }
0x182: {  	[spmem:s2] =	stream.indirect.scatter.add.f32 @p6 [tilespmem:s6], [sflag:$0x10], $0x80, s20, s24, $0xb8;
	[tilespmem:$0x1FE78] =	vst v63  }
0x183: {  	s22 =	simm.s32 @p1 $0xB;
	s6 =	simm.s32 @p6 $0xC300  }
0x184: {  	[spmem:s3] =	stream.indirect.scatter.add.f32 @p6 [tilespmem:s6], [sflag:$0x16], $0x1, s20, s24, $0xb8;
	[tilespmem:$0x1FE78] =	vst v63  }
0x185: {  	_ =	swait.ge @p1 [sflag:s22], $0x2000  }
0x186: {  	[sflag:s22] =	ssyncset.done @p1 $0x0  }
0x187: {  	s6 =	simm.s32 @p1 $0x240;
	[sflag:s22] =	ssyncadd.s32 @p1 $0xFFFFE000  }
0x188: {  	[spmem:s2] =	stream.indirect.scatter.add.f32 @p1 [tilespmem:s18], [sflag:$0x11], $0x80, s6, s21, $0xb8;
	[tilespmem:$0x1FE78] =	vst v63  }
0x189: {  	s20 =	simm.s32 @p5 $0xC;
	s18 =	simm.s32 @p1 $0xC300  }
0x18a: {  	[spmem:s3] =	stream.indirect.scatter.add.f32 @p1 [tilespmem:s18], [sflag:$0x17], $0x1, s6, s21, $0xb8;
	[tilespmem:$0x1FE78] =	vst v63  }
0x18b: {  	p1 =	seq.s32 s17, $0x50;
	s6 =	sadd.s32 $0xFFFFFF50, s17;
	_ =	swait.ge @p5 [sflag:s20], $0x2000  }
0x18c: {  	p0 =	sge.s32 @!p1 s6, s8;
	[sflag:s20] =	ssyncset.done @p5 $0x0  }
0x18d: {  	s18 =	simm.s32 @p5 $0x2C0;
	p0 =	por p0, p1;
	[sflag:s20] =	ssyncadd.s32 @p5 $0xFFFFE000  }
0x18e: {  	[spmem:s2] =	stream.indirect.scatter.add.f32 @p5 [tilespmem:s19], [sflag:$0x12], $0x80, s18, s23, $0xb8;
	[tilespmem:$0x1FE78] =	vst v63  }
0x18f: {  	s20 =	simm.s32 @p5 $0xC300;
	s19 =	simm.s32 @!p0 $0xD  }
0x190: {  	[spmem:s3] =	stream.indirect.scatter.add.f32 @p5 [tilespmem:s20], [sflag:$0x18], $0x1, s18, s23, $0xb8;
	[tilespmem:$0x1FE78] =	vst v63  }
0x191: {  	_ =	swait.ge @!p0 [sflag:s19], $0x2000  }
0x192: {  	[sflag:s19] =	ssyncset.done @!p0 $0x0  }
0x193: {  	s18 =	simm.s32 @!p0 $0x13;
	[sflag:s19] =	ssyncadd.s32 @!p0 $0xFFFFE000  }
0x194: {  	_ =	swait.ge @!p0 [sflag:s18], $0x40  }
0x195: {  	s19 =	rddreg [dreg:$0x6]  }
0x196: {  	p2 =	sge.s32 @!p1 s6, s19  }
0x197: {  	[sflag:s18] =	ssyncset.done @!p0 $0x0;
	p2 =	por p2, p1  }
0x198: {  	[sflag:s18] =	ssyncadd.s32 @!p0 $0xFFFFFFC0;
	s6 =	simm.s32 @!p2 $0xE  }
0x199: {  	_ =	swait.ge @!p2 [sflag:s6], $0x2000  }
0x19a: {  	[sflag:s6] =	ssyncset.done @!p2 $0x0  }
0x19b: {  	s19 =	simm.s32 @!p2 $0x14;
	[sflag:s6] =	ssyncadd.s32 @!p2 $0xFFFFE000  }
0x19c: {  	_ =	swait.ge @!p2 [sflag:s19], $0x40  }
0x19d: {  	s18 =	sadd.s32 $0xFFFFFFB0, s17;
	s6 =	rddreg [dreg:$0x7]  }
0x19e: {  	p0 =	sge.u32 @!p1 s18, s6  }
0x19f: {  	[sflag:s19] =	ssyncset.done @!p2 $0x0;
	p6 =	por p0, p1  }
0x1a0: {  	s30 =	sadd.s32 $0xFFFFFFC0, s17;
	[sflag:s19] =	ssyncadd.s32 @!p2 $0xFFFFFFC0;
	s6 =	simm.s32 @!p6 $0xF  }
0x1a1: {  	s31 =	sadd.s32 $0xFFFFFFD0, s17;
	p4 =	sge.u32 s30, s8;
	_ =	swait.ge @!p6 [sflag:s6], $0x2000  }
0x1a2: {  	s26 =	simm.s32 @!p4 $0x4E200;
	s24 =	simm.s32 @!p4 $0x40;
	[sflag:s6] =	ssyncset.done @!p6 $0x0  }
0x1a3: {  	s23 =	sadd.s32 @!p4 $0xFFFFFF00, s15;
	s22 =	simm.s32 @!p6 $0x15;
	[sflag:s6] =	ssyncadd.s32 @!p6 $0xFFFFE000  }
0x1a4: {  	p5 =	sge.u32 s31, s8;
	p3 =	sge.u32 s18, s8;
	_ =	swait.ge @!p6 [sflag:s22], $0x40  }
0x1a5: {  	s20 =	simm.s32 @!p3 $0x40;
	s21 =	simm.s32 @!p3 $0x4E200;
	[sflag:s22] =	ssyncset.done @!p6 $0x0  }
0x1a6: {  	s19 =	sadd.s32 @!p3 $0xFFFFFE80, s15;
	s6 =	simm.s32 @!p3 $0x0;
	[sflag:s22] =	ssyncadd.s32 @!p6 $0xFFFFFFC0  }
0x1a7: {  	[tilespmem:s6], [sflag:$0x1] =	stream.strided.gather @!p3 [hbm4b:s19+s20], $0x80, s21, s20, $0x38;
	[tilespmem:$0x1FE78] =	vst v63  }
0x1a8: {  	s25 =	simm.s32 @!p5 $0x40;
	s22 =	simm.s32 @!p3 $0x1;
	s19 =	simm.s32 @!p4 $0x80  }
0x1a9: {  	[tilespmem:s19], [sflag:$0x2] =	stream.strided.gather @!p4 [hbm4b:s23+s24], $0x80, s26, s24, $0x38;
	[tilespmem:$0x1FE78] =	vst v63  }
0x1aa: {  	s21 =	simm.s32 @!p5 $0x100;
	s23 =	sadd.s32 @!p5 $0xFFFFFF80, s15;
	s26 =	simm.s32 @!p5 $0x4E200  }
0x1ab: {  	[tilespmem:s21], [sflag:$0x3] =	stream.strided.gather @!p5 [hbm4b:s23+s25], $0x80, s26, s25, $0x38;
	[tilespmem:$0x1FE78] =	vst v63  }
0x1ac: {  	_ =	swait.ge @!p3 [sflag:s22], $0x80  }
0x1ad: {  	[sflag:s22] =	ssyncset.done @!p3 $0x0  }
0x1ae: {  	s23 =	simm.s32 @!p4 $0x2;
	[sflag:s22] =	ssyncadd.s32 @!p3 $0xFFFFFF80;
	s22 =	simm.s32 @!p3 $0x300  }
0x1af: {  	[tilespmem:s22], [sflag:$0x7] =	stream.indirect.gather @!p3 [hbm4b:s1+s20], $0x80, s6, s20, $0xb8;
	[tilespmem:$0x1FE78] =	vst v63  }
0x1b0: {  	_ =	swait.ge @!p4 [sflag:s23], $0x80  }
0x1b1: {  	[sflag:s23] =	ssyncset.done @!p4 $0x0  }
0x1b2: {  	s6 =	simm.s32 @!p4 $0x2300;
	[sflag:s23] =	ssyncadd.s32 @!p4 $0xFFFFFF80;
	s23 =	simm.s32 @!p5 $0x3  }
0x1b3: {  	[tilespmem:s6], [sflag:$0x8] =	stream.indirect.gather @!p4 [hbm4b:s1+s24], $0x80, s19, s24, $0xb8;
	[tilespmem:$0x1FE78] =	vst v63  }
0x1b4: {  	_ =	swait.ge @!p5 [sflag:s23], $0x80  }
0x1b5: {  	[sflag:s23] =	ssyncset.done @!p5 $0x0  }
0x1b6: {  	s19 =	simm.s32 @!p5 $0x4300;
	[sflag:s23] =	ssyncadd.s32 @!p5 $0xFFFFFF80;
	s23 =	simm.s32 @!p3 $0x7  }
0x1b7: {  	[tilespmem:s19], [sflag:$0x9] =	stream.indirect.gather @!p5 [hbm4b:s1+s25], $0x80, s21, s25, $0xb8;
	[tilespmem:$0x1FE78] =	vst v63  }
0x1b8: {  	_ =	swait.ge @!p3 [sflag:s23], $0x2000  }
0x1b9: {  	[sflag:s23] =	ssyncset.done @!p3 $0x0  }
0x1ba: {  	[sflag:s23] =	ssyncadd.s32 @!p3 $0xFFFFE000  }
0x1bb: {  	[spmem:s2] =	stream.indirect.scatter.add.f32 @!p3 [tilespmem:s22], [sflag:$0xD], $0x80, s20, s20, $0xb8;
	[tilespmem:$0x1FE78] =	vst v63  }
0x1bc: {  	s21 =	simm.s32 @!p3 $0xC300;
	s22 =	simm.s32 @!p4 $0x8  }
0x1bd: {  	[spmem:s3] =	stream.indirect.scatter.add.f32 @!p3 [tilespmem:s21], [sflag:$0x13], $0x1, s20, s20, $0xb8;
	[tilespmem:$0x1FE78] =	vst v63  }
0x1be: {  	_ =	swait.ge @!p4 [sflag:s22], $0x2000  }
0x1bf: {  	[sflag:s22] =	ssyncset.done @!p4 $0x0  }
0x1c0: {  	s20 =	simm.s32 @!p4 $0xC0;
	[sflag:s22] =	ssyncadd.s32 @!p4 $0xFFFFE000  }
0x1c1: {  	[spmem:s2] =	stream.indirect.scatter.add.f32 @!p4 [tilespmem:s6], [sflag:$0xE], $0x80, s20, s24, $0xb8;
	[tilespmem:$0x1FE78] =	vst v63  }
0x1c2: {  	s21 =	simm.s32 @!p5 $0x9;
	s6 =	simm.s32 @!p4 $0xC300  }
0x1c3: {  	[spmem:s3] =	stream.indirect.scatter.add.f32 @!p4 [tilespmem:s6], [sflag:$0x14], $0x1, s20, s24, $0xb8;
	[tilespmem:$0x1FE78] =	vst v63  }
0x1c4: {  	_ =	swait.ge @!p5 [sflag:s21], $0x2000  }
0x1c5: {  	[sflag:s21] =	ssyncset.done @!p5 $0x0;
	s6 =	rddreg [dreg:$0x8]  }
0x1c6: {  	s20 =	simm.s32 @!p5 $0x140;
	[sflag:s21] =	ssyncadd.s32 @!p5 $0xFFFFE000;
	p0 =	sge.u32 @!p1 s18, s6  }
0x1c7: {  	[spmem:s2] =	stream.indirect.scatter.add.f32 @!p5 [tilespmem:s19], [sflag:$0xF], $0x80, s20, s25, $0xb8;
	[tilespmem:$0x1FE78] =	vst v63  }
0x1c8: {  	p2 =	por p0, p1  }
0x1c9: {  	s19 =	simm.s32 @!p5 $0xC300;
	s6 =	simm.s32 @!p2 $0x10  }
0x1ca: {  	[spmem:s3] =	stream.indirect.scatter.add.f32 @!p5 [tilespmem:s19], [sflag:$0x15], $0x1, s20, s25, $0xb8;
	[tilespmem:$0x1FE78] =	vst v63  }
0x1cb: {  	_ =	swait.ge @!p2 [sflag:s6], $0x2000  }
0x1cc: {  	[sflag:s6] =	ssyncset.done @!p2 $0x0  }
0x1cd: {  	[sflag:s6] =	ssyncadd.s32 @!p2 $0xFFFFE000;
	s6 =	simm.s32 @!p2 $0x16  }
0x1ce: {  	_ =	swait.ge @!p2 [sflag:s6], $0x40  }
0x1cf: {  	s19 =	rddreg [dreg:$0x9]  }
0x1d0: {  	p0 =	sge.u32 @!p1 s18, s19  }
0x1d1: {  	[sflag:s6] =	ssyncset.done @!p2 $0x0;
	p0 =	por p0, p1  }
0x1d2: {  	[sflag:s6] =	ssyncadd.s32 @!p2 $0xFFFFFFC0;
	s6 =	simm.s32 @!p0 $0x11  }
0x1d3: {  	_ =	swait.ge @!p0 [sflag:s6], $0x2000  }
0x1d4: {  	[sflag:s6] =	ssyncset.done @!p0 $0x0  }
0x1d5: {  	s19 =	simm.s32 @!p0 $0x17;
	[sflag:s6] =	ssyncadd.s32 @!p0 $0xFFFFE000  }
0x1d6: {  	s16 =	sadd.s32 $0x2, s16;
	s28 =	sadd.s32 $0xFFFFFFE0, s17;
	_ =	swait.ge @!p0 [sflag:s19], $0x40  }
0x1d7: {  	p6 =	slt.u32 s28, s8;
	p4 =	slt.u32 s16, $0x35;
	s6 =	rddreg [dreg:$0xa]  }
0x1d8: {  	s29 =	sadd.s32 $0xFFFFFFF0, s17;
	p3 =	por !p4, !p6;
	p5 =	sge.u32 @!p1 s18, s6  }
0x1d9: {  	p6 =	slt.u32 s29, s8;
	[sflag:s19] =	ssyncset.done @!p0 $0x0;
	p5 =	por p5, p1  }
0x1da: {  	p3 =	por !p3, !p3;
	[sflag:s19] =	ssyncadd.s32 @!p0 $0xFFFFFFC0;
	s6 =	simm.s32 @!p5 $0x12  }
0x1db: {  	p6 =	por !p4, !p6;
	s16 =	simm.s32 @p3 $0x40;
	_ =	swait.ge @!p5 [sflag:s6], $0x2000  }
0x1dc: {  	s20 =	simm.s32 @p3 $0x4;
	p2 =	slt.u32 s17, s8;
	[sflag:s6] =	ssyncset.done @!p5 $0x0  }
0x1dd: {  	s17 =	simm.s32 @p3 $0x4E200;
	[sflag:s6] =	ssyncadd.s32 @!p5 $0xFFFFE000;
	s6 =	simm.s32 @!p5 $0x18  }
0x1de: {  	p2 =	por !p4, !p2;
	p4 =	por !p6, !p6;
	_ =	swait.ge @!p5 [sflag:s6], $0x40  }
0x1df: {  	s21 =	simm.s32 @p4 $0x40;
	s22 =	simm.s32 @p4 $0x200;
	[sflag:s6] =	ssyncset.done @!p5 $0x0  }
0x1e0: {  	s18 =	simm.s32 @p3 $0x180;
	p1 =	por !p2, !p2;
	[sflag:s6] =	ssyncadd.s32 @!p5 $0xFFFFFFC0  }
0x1e1: {  	[tilespmem:s18], [sflag:$0x4] =	stream.strided.gather @p3 [hbm4b:s15+s16], $0x80, s17, s16, $0x38;
	[tilespmem:$0x1FE78] =	vst v63  }
0x1e2: {  	s19 =	simm.s32 @p1 $0x280;
	s6 =	simm.s32 @p4 $0x4E200;
	s17 =	sadd.s32 @p4 $0x80, s15  }
0x1e3: {  	[tilespmem:s22], [sflag:$0x5] =	stream.strided.gather @p4 [hbm4b:s17+s21], $0x80, s6, s21, $0x38;
	[tilespmem:$0x1FE78] =	vst v63  }
0x1e4: {  	s6 =	sadd.s32 @p1 $0x100, s15;
	s15 =	simm.s32 @p1 $0x40;
	s17 =	simm.s32 @p1 $0x4E200  }
0x1e5: {  	[tilespmem:s19], [sflag:$0x6] =	stream.strided.gather @p1 [hbm4b:s6+s15], $0x80, s17, s15, $0x38;
	[tilespmem:$0x1FE78] =	vst v63  }
0x1e6: {  	_ =	swait.ge @p3 [sflag:s20], $0x80  }
0x1e7: {  	[sflag:s20] =	ssyncset.done @p3 $0x0  }
0x1e8: {  	s6 =	simm.s32 @p3 $0x6300;
	s17 =	simm.s32 @p4 $0x5;
	[sflag:s20] =	ssyncadd.s32 @p3 $0xFFFFFF80  }
0x1e9: {  	[tilespmem:s6], [sflag:$0xA] =	stream.indirect.gather @p3 [hbm4b:s1+s16], $0x80, s18, s16, $0xb8;
	[tilespmem:$0x1FE78] =	vst v63  }
0x1ea: {  	_ =	swait.ge @p4 [sflag:s17], $0x80  }
0x1eb: {  	[sflag:s17] =	ssyncset.done @p4 $0x0  }
0x1ec: {  	s18 =	simm.s32 @p1 $0x6;
	[sflag:s17] =	ssyncadd.s32 @p4 $0xFFFFFF80;
	s17 =	simm.s32 @p4 $0x8300  }
0x1ed: {  	[tilespmem:s17], [sflag:$0xB] =	stream.indirect.gather @p4 [hbm4b:s1+s21], $0x80, s22, s21, $0xb8;
	[tilespmem:$0x1FE78] =	vst v63  }
0x1ee: {  	_ =	swait.ge @p1 [sflag:s18], $0x80  }
0x1ef: {  	[sflag:s18] =	ssyncset.done @p1 $0x0  }
0x1f0: {  	s20 =	simm.s32 @p3 $0xA;
	[sflag:s18] =	ssyncadd.s32 @p1 $0xFFFFFF80;
	s18 =	simm.s32 @p1 $0xA300  }
0x1f1: {  	[tilespmem:s18], [sflag:$0xC] =	stream.indirect.gather @p1 [hbm4b:s1+s15], $0x80, s19, s15, $0xb8;
	[tilespmem:$0x1FE78] =	vst v63  }
0x1f2: {  	_ =	swait.ge @p3 [sflag:s20], $0x2000  }
0x1f3: {  	[sflag:s20] =	ssyncset.done @p3 $0x0  }
0x1f4: {  	s19 =	simm.s32 @p3 $0x1C0;
	[sflag:s20] =	ssyncadd.s32 @p3 $0xFFFFE000  }
0x1f5: {  	[spmem:s2] =	stream.indirect.scatter.add.f32 @p3 [tilespmem:s6], [sflag:$0x10], $0x80, s19, s16, $0xb8;
	[tilespmem:$0x1FE78] =	vst v63  }
0x1f6: {  	s20 =	simm.s32 @p4 $0xB;
	s6 =	simm.s32 @p3 $0xC300  }
0x1f7: {  	[spmem:s3] =	stream.indirect.scatter.add.f32 @p3 [tilespmem:s6], [sflag:$0x16], $0x1, s19, s16, $0xb8;
	[tilespmem:$0x1FE78] =	vst v63  }
0x1f8: {  	_ =	swait.ge @p4 [sflag:s20], $0x2000  }
0x1f9: {  	[sflag:s20] =	ssyncset.done @p4 $0x0  }
0x1fa: {  	s6 =	simm.s32 @p4 $0x240;
	[sflag:s20] =	ssyncadd.s32 @p4 $0xFFFFE000  }
0x1fb: {  	[spmem:s2] =	stream.indirect.scatter.add.f32 @p4 [tilespmem:s17], [sflag:$0x11], $0x80, s6, s21, $0xb8;
	[tilespmem:$0x1FE78] =	vst v63  }
0x1fc: {  	s16 =	simm.s32 @p4 $0xC300;
	s17 =	simm.s32 @p1 $0xC  }
0x1fd: {  	[spmem:s3] =	stream.indirect.scatter.add.f32 @p4 [tilespmem:s16], [sflag:$0x17], $0x1, s6, s21, $0xb8;
	[tilespmem:$0x1FE78] =	vst v63  }
0x1fe: {  	_ =	swait.ge @p1 [sflag:s17], $0x2000  }
0x1ff: {  	[sflag:s17] =	ssyncset.done @p1 $0x0  }
0x200: {  	s30 =	sadd.s32 $0x0, s5;
	s6 =	simm.s32 @p1 $0x2C0;
	[sflag:s17] =	ssyncadd.s32 @p1 $0xFFFFE000  }
0x201: {  	[spmem:s2] =	stream.indirect.scatter.add.f32 @p1 [tilespmem:s18], [sflag:$0x12], $0x80, s6, s15, $0xb8;
	[tilespmem:$0x1FE78] =	vst v63  }
0x202: {  	p0 =	sgt.u32 s30, $0x9B;
	s16 =	simm.s32 @p1 $0xC300  }
0x203: {  	[spmem:s3] =	stream.indirect.scatter.add.f32 @p1 [tilespmem:s16], [sflag:$0x18], $0x1, s6, s15, $0xb8;
	[tilespmem:$0x1FE78] =	vst v63  }
0x204: {  	s6 =	simm.s32 @!p0 $0x300;
	s16 =	simm.s32 @!p0 $0x1A;
	[bflag:$0x0] =	sbarrier.arrive $0xFFFF  }
0x205: {  	[tilespmem:s6], [sflag:$0x1A] =	stream.linear.gather @!p0 [spmem:s9], $0x2000, $0x38;
	[tilespmem:$0x1FE78] =	vst v63  }
0x206: {  	_ =	swait.ge @!p0 [sflag:s16], $0x2000  }
0x207: {  	s18 =	simm.s32 @!p0 $0x0;
	[sflag:s16] =	ssyncset.done @!p0 $0x0  }
0x208: {  	p1 =	por p0, p0;
	s20 =	rddreg [dreg:$0x17];
	[sflag:s16] =	ssyncadd.s32 @!p0 $0xFFFFE000  }
0x209: {  	[hbm4b:s20+s18] =	stream.linear.scatter @!p1 [tilespmem:s6], [sflag:$0x1A], $0x2000, $0x38;
	[tilespmem:$0x1FE78] =	vst v63  }
0x20a: {  	_ =	swait.ge @!p1 [sflag:s16], $0x2000  }
0x20b: {  	[sflag:s16] =	ssyncset.done @!p1 $0x0  }
0x20c: {  	s6 =	simm.s32 @!p1 $0xC340;
	[sflag:s16] =	ssyncadd.s32 @!p1 $0xFFFFE000  }
0x20d: {  	[tilespmem:s6], [sflag:$0x1A] =	stream.linear.gather @!p1 [spmem:s10], $0x40, $0x38;
	[tilespmem:$0x1FE78] =	vst v63  }
0x20e: {  	s31 =	sadd.s32 $0x10, s5;
	_ =	swait.ge @!p1 [sflag:s16], $0x40  }
0x20f: {  	p4 =	sgt.u32 s31, $0x9B;
	s17 =	simm.s32 $0x20;
	[sflag:s16] =	ssyncset.done @!p1 $0x0  }
0x210: {  	s21 =	simm.s32 @!p1 $0x19;
	s19 =	rddreg [dreg:$0x19];
	[sflag:s16] =	ssyncadd.s32 @!p1 $0xFFFFFFC0  }
0x211: {  	[hbm4b:s19+s18] =	stream.linear.scatter @!p1 [tilespmem:s6], [sflag:$0x19], $0x40, $0x38;
	[tilespmem:$0x1FE78] =	vst v63  }
0x212: {  	s15 =	sadd.s32 $0x80, s19;
	s16 =	sadd.s32 $0x400, s10;
	_ =	swait.ge @!p1 [sflag:s21], $0x40  }
0x213: {  	s19 =	sadd.s32 $0x20000, s9;
	s18 =	sadd.s32 $0x4000, s20;
	[sflag:s21] =	ssyncset.done @!p1 $0x0  }
.LBB2_6:
0x214: {  	s6 =	simm.s32 @!p4 $0x300;
	s20 =	simm.s32 @!p4 $0x1A;
	[sflag:s21] =	ssyncadd.s32 @!p1 $0xFFFFFFC0  }
0x215: {  	[tilespmem:s6], [sflag:$0x1A] =	stream.linear.gather @!p4 [spmem:s19], $0x2000, $0x38;
	[tilespmem:$0x1FE78] =	vst v63  }
0x216: {  	s22 =	smov.u32 s17;
	s17 =	sadd.s32 $0x10, s17;
	_ =	swait.ge @!p4 [sflag:s20], $0x2000  }
0x217: {  	s23 =	smov.u32 s15;
	p3 =	sne.s32 s17, $0xA0;
	[sflag:s20] =	ssyncset.done @!p4 $0x0  }
0x218: {  	s24 =	simm.s32 @!p4 $0x0;
	p1 =	por p4, p4;
	[sflag:s20] =	ssyncadd.s32 @!p4 $0xFFFFE000  }
0x219: {  	[hbm4b:s18+s24] =	stream.linear.scatter @!p1 [tilespmem:s6], [sflag:$0x1A], $0x2000, $0x38;
	[tilespmem:$0x1FE78] =	vst v63  }
0x21a: {  	_ =	swait.ge @!p1 [sflag:s20], $0x2000  }
0x21b: {  	[sflag:s20] =	ssyncset.done @!p1 $0x0  }
0x21c: {  	s6 =	simm.s32 @!p1 $0xC340;
	[sflag:s20] =	ssyncadd.s32 @!p1 $0xFFFFE000  }
0x21d: {  	[tilespmem:s6], [sflag:$0x1A] =	stream.linear.gather @!p1 [spmem:s16], $0x40, $0x38;
	[tilespmem:$0x1FE78] =	vst v63  }
0x21e: {  	_ =	swait.ge @!p1 [sflag:s20], $0x40  }
.Ltmp2:
0x21f: {  	s15 =	sadd.s32 $0x80, s15;
	[sflag:s20] =	ssyncset.done @!p1 $0x0;
	(pc) =	sbr.rel @p3 .LBB2_6-.Ltmp2, $4  }
0x220: {  	s21 =	simm.s32 @!p1 $0x19;
	s16 =	sadd.s32 $0x400, s16;
	[sflag:s20] =	ssyncadd.s32 @!p1 $0xFFFFFFC0  }
0x221: {  	[hbm4b:s23+s24] =	stream.linear.scatter @!p1 [tilespmem:s6], [sflag:$0x19], $0x40, $0x38;
	[tilespmem:$0x1FE78] =	vst v63  }
0x222: {  	s19 =	sadd.s32 $0x20000, s19;
	s6 =	sadd.s32 s22, s5;
	_ =	swait.ge @!p1 [sflag:s21], $0x40  }
0x223: {  	s18 =	sadd.s32 $0x4000, s18;
	p4 =	sgt.u32 s6, $0x9B;
	[sflag:s21] =	ssyncset.done @!p1 $0x0  }
0x224: {  	s6 =	simm.s32 @!p4 $0x300;
	s17 =	simm.s32 @!p4 $0x1A;
	[sflag:s21] =	ssyncadd.s32 @!p1 $0xFFFFFFC0  }
0x225: {  	[tilespmem:s6], [sflag:$0x1A] =	stream.linear.gather @!p4 [spmem:s19], $0x2000, $0x38;
	[tilespmem:$0x1FE78] =	vst v63  }
0x226: {  	_ =	swait.ge @!p4 [sflag:s17], $0x2000  }
0x227: {  	[sflag:s17] =	ssyncset.done @!p4 $0x0  }
0x228: {  	p0 =	por p4, p4;
	s19 =	simm.s32 @!p4 $0x0;
	[sflag:s17] =	ssyncadd.s32 @!p4 $0xFFFFE000  }
0x229: {  	[hbm4b:s18+s19] =	stream.linear.scatter @!p0 [tilespmem:s6], [sflag:$0x1A], $0x2000, $0x38;
	[tilespmem:$0x1FE78] =	vst v63  }
0x22a: {  	_ =	swait.ge @!p0 [sflag:s17], $0x2000  }
0x22b: {  	[sflag:s17] =	ssyncset.done @!p0 $0x0  }
0x22c: {  	s6 =	simm.s32 @!p0 $0xC340;
	[sflag:s17] =	ssyncadd.s32 @!p0 $0xFFFFE000  }
0x22d: {  	[tilespmem:s6], [sflag:$0x1A] =	stream.linear.gather @!p0 [spmem:s16], $0x40, $0x38;
	[tilespmem:$0x1FE78] =	vst v63  }
0x22e: {  	_ =	swait.ge @!p0 [sflag:s17], $0x40  }
0x22f: {  	[sflag:s17] =	ssyncset.done @!p0 $0x0  }
0x230: {  	s16 =	simm.s32 @!p0 $0x19;
	[sflag:s17] =	ssyncadd.s32 @!p0 $0xFFFFFFC0  }
0x231: {  	[hbm4b:s15+s19] =	stream.linear.scatter @!p0 [tilespmem:s6], [sflag:$0x19], $0x40, $0x38;
	[tilespmem:$0x1FE78] =	vst v63  }
0x232: {  	_ =	swait.ge @!p0 [sflag:s16], $0x40  }
0x233: {  	s30 =	sld [smem:$0x7FC];
	_ =	sdelay $0x2  }
0x234: {  	[sflag:s16] =	ssyncset.done @!p0 $0x0;
	p1 =	seq.s32 s30, $0x1  }
0x235: {  	[sflag:s16] =	ssyncadd.s32 @!p0 $0xFFFFFFC0;
	s6 =	simm.s32 @!p1 $0x300;
	s15 =	simm.s32 @!p1 $0x19  }
0x236: {  	[tilespmem:s6], [sflag:$0x19] =	stream.linear.gather @!p1 [spmem:s7], $0x800, $0x38;
	[tilespmem:$0x1FE78] =	vst v63  }
0x237: {  	_ =	swait.ge @!p1 [sflag:s15], $0x800  }
0x238: {  	[sflag:s15] =	ssyncset.done @!p1 $0x0  }
0x239: {  	s16 =	simm.s32 @!p1 $0x0;
	s17 =	rddreg [dreg:$0xb];
	[sflag:s15] =	ssyncadd.s32 @!p1 $0xFFFFF800  }
0x23a: {  	[hbm4b:s17+s16] =	stream.linear.scatter @!p1 [tilespmem:s6], [sflag:$0x19], $0x800, $0x38;
	[tilespmem:$0x1FE78] =	vst v63  }
0x23b: {  	_ =	swait.ge @!p1 [sflag:s15], $0x800  }
0x23c: {  	s19 =	sld [smem:$0x7FD]  }
0x23d: {  	[sflag:s15] =	ssyncset.done @!p1 $0x0  }
0x23e: {  	s6 =	simm.s32 @!p1 $0xC340;
	[sflag:s15] =	ssyncadd.s32 @!p1 $0xFFFFF800  }
0x23f: {  	[tilespmem:s6], [sflag:$0x19] =	stream.linear.gather @!p1 [spmem:s19], $0x10, $0x38;
	[tilespmem:$0x1FE78] =	vst v63  }
0x240: {  	_ =	swait.ge @!p1 [sflag:s15], $0x10  }
0x241: {  	[sflag:s15] =	ssyncset.done @!p1 $0x0  }
0x242: {  	s17 =	rddreg [dreg:$0xc];
	[sflag:s15] =	ssyncadd.s32 @!p1 $0xFFFFFFF0  }
0x243: {  	[hbm4b:s17+s16] =	stream.linear.scatter @!p1 [tilespmem:s6], [sflag:$0x19], $0x10, $0x38;
	[tilespmem:$0x1FE78] =	vst v63  }
0x244: {  	_ =	swait.ge @!p1 [sflag:s15], $0x10  }
0x245: {  	s4 =	sadd.s32 $0x1, s4;
	s31 =	rddreg [dreg:$0xd]  }
0x246: {  	p0 =	sne.s32 s4, s31  }
.Ltmp3:
0x247: {  	_ = 	snop;
	(pc) =	sbr.rel @p0 .LBB2_1-.Ltmp3, $3  }
0x248: {  	_ =	sdelay $0x1  }
0x249: {  	[sflag:s15] =	ssyncset.done @!p1 $0x0  }
0x24a: {  	s18 =	smov.u32 s7;
	[sflag:s15] =	ssyncadd.s32 @!p1 $0xFFFFFFF0  }
0x24b: {  	_ =	sfence.sel $0x180000  }
0x24c: {  	[bflag:$0x0] =	sbarrier.arrive $0xFFFF  }
0x24d: {  	_ =	strace $0x90000047  }
0x24e: {  	[bflag:$0x2] =	sbarrier.arrive $0xFFFF  }
0x24f: {  	p0 =	sne.s32 s5, $0x0;
	s0 =	rddreg [dreg:$0x5]  }
0x250: {  	s0 =	sadd.s32 @!p0 $0x100000, s0  }
0x251: {  	[sflag:s0] =	ssyncadd.tile.s32 @!p0 $0x1;
	_ =	shalt  }
.Lfunc_end2:
_tile_overlayer_lowered:
.L_overlay_start_2:
0x252: {  	(tag) =	ssettag $0x2  }
0x253: {  	s0 =	rddreg [dreg:$0x0];
	s2 =	stileid.u32  }
0x254: {  	s1 =	rddreg [dreg:$0x1];
	p0 =	sne.s32 s2, $0x0  }
0x255: {  	s3 =	rddreg [dreg:$0x2];
	[bflag:$0x3] =	sbarrier.arrive $0xFFFF;
	s2 =	simm.s32 @!p0 $0x1C19  }
0x256: {  	[timem:s3], [sflag:s2] =	dma.local @!p0 [hbm:s0], s1  }
0x257: {  	s0 =	simm.s32 @!p0 $0x19  }
0x258: {  	_ =	swait.ge @!p0 [sflag:s0], s1  }
0x259: {  	s1 =	ssub.s32 @!p0 $0x0, s1;
	[sflag:s0] =	ssyncset.done @!p0 $0x0  }
0x25a: {  	[sflag:s0] =	ssyncadd.s32 @!p0 s1  }
0x25b: {  	[bflag:$0x3] =	sbarrier.arrive $0xFFFF  }
0x25c: {  	_ =	shalt  }

</sc_bundles>
